<compile_context>
chip_gen: v7x
topology: tpu7x:2x2x1
jax: 0.10.2.dev20260603
libtpu: 0.0.44.dev20260713+nightly
codegen_flags: <defaults>
</compile_context>

<pallas_src>
import functools
import jax
import jax.numpy as jnp
from jax import lax
from jax.experimental import pallas as pl
from jax.experimental.pallas import tpu as pltpu
from jax.experimental.pallas import tpu_sc as plsc

_T5 = 297
_TILE = 152
_WROWS = 312
_NK = 320
_PC = 512
_CW = 128


def _dot(a, b):
    return jax.lax.dot_general(
        a.astype(jnp.bfloat16), b.astype(jnp.bfloat16),
        (((1,), (0,)), ((), ())), preferred_element_type=jnp.float32)


def _phase_conv(xs, taps, bias, s_out):
    p_in = len(xs)
    outs = []
    for q in range(p_in // 2):
        acc = None
        for k in range(taps.shape[0]):
            u = 2 * q + k
            src = xs[u % p_in]
            j = u // p_in
            term = _dot(jax.lax.slice(src, (j, 0), (j + s_out, src.shape[1])),
                        taps[k])
            acc = term if acc is None else acc + term
        outs.append(jnp.maximum(acc + bias, 0.0))
    return outs


def _body(wav_ref, w0_ref, b0_ref, w1_ref, b1_ref, w2_ref, b2_ref,
          w3_ref, b3_ref, w4_ref, b4_ref, cbt_ref, d0_ref, d1_ref):
    t = pl.program_id(1)
    wt = wav_ref[0, pl.ds(_TILE * t, 158), :]
    b0 = b0_ref[...]
    w0 = w0_ref[...]
    x = []
    for p in range(16):
        if p < 15:
            v = _dot(wt[:157, 5 * p:5 * p + 10], w0)
        else:
            pat = jnp.concatenate([wt[:157, 75:80], wt[1:158, 0:5]], axis=1)
            v = _dot(pat, w0)
        x.append(jnp.maximum(v + b0, 0.0))
    x = _phase_conv(x, w1_ref[...], b1_ref[...], 156)
    x = _phase_conv(x, w2_ref[...], b2_ref[...], 155)
    x = _phase_conv(x, w3_ref[...], b3_ref[...], 154)
    x = _phase_conv(x, w4_ref[...], b4_ref[...], _TILE + 1)
    z = x[0][:_TILE]
    for g, out_ref in ((0, d0_ref), (1, d1_ref)):
        zg = z[:, g * 256:(g + 1) * 256]
        cbt = cbt_ref[g]
        zn = jnp.sum(zg * zg, axis=1, keepdims=True)
        en = jnp.sum(cbt * cbt, axis=0, keepdims=True)
        d = (zn - 2.0 * _dot(zg, cbt)) + en
        out_ref[0, :, :_TILE] = d.T


def _tc_distances(wav, ops):
    B = wav.shape[0]
    full = lambda a: pl.BlockSpec(a.shape, lambda b, t: (0,) * a.ndim)
    in_specs = [pl.BlockSpec((1, _WROWS, 80), lambda b, t: (b, 0, 0))]
    in_specs += [full(a) for a in ops]
    return pl.pallas_call(
        _body,
        grid=(B, 2),
        in_specs=in_specs,
        out_specs=[pl.BlockSpec((1, _NK, _PC // 2),
                                lambda b, t: (b, 0, t))] * 2,
        out_shape=[jax.ShapeDtypeStruct((B, _NK, _PC), jnp.float32)] * 2,
    )(wav, *ops)


def _sc_argmin(dt):
    mesh = plsc.VectorSubcoreMesh(core_axis_name="c", subcore_axis_name="s")

    @functools.partial(
        pl.kernel,
        out_type=jax.ShapeDtypeStruct((4, _PC), jnp.int32),
        mesh=mesh,
        scratch_types=[
            pltpu.VMEM((_NK, _CW), jnp.float32),
            pltpu.VMEM((_CW,), jnp.int32),
            pltpu.SemaphoreType.DMA,
        ],
    )
    def body(dt_hbm, out_hbm, chunk_v, out_v, sem):
        wid = (lax.axis_index("s") * 2 + lax.axis_index("c")) % 16
        m = wid // 4
        c0 = (wid % 4) * _CW
        pltpu.sync_copy(dt_hbm.at[m, :, pl.ds(c0, _CW)], chunk_v)
        for grp in range(_CW // 16):
            def step(k, carry):
                vmin, vidx = carry
                v = chunk_v[k, pl.ds(grp * 16, 16)]
                pred = v < vmin
                kv = jnp.broadcast_to(k, (16,)).astype(jnp.int32)
                return (jnp.where(pred, v, vmin), jnp.where(pred, kv, vidx))
            vmin0 = jnp.full((16,), jnp.inf, jnp.float32)
            vidx0 = jnp.zeros((16,), jnp.int32)
            _, vidx = lax.fori_loop(0, _NK, step, (vmin0, vidx0))
            out_v[pl.ds(grp * 16, 16)] = vidx
        pltpu.sync_copy(out_v, out_hbm.at[m, pl.ds(c0, _CW)])

    return body(dt)


def kernel(wav_input, W0, b0, W1, b1, W2, b2, W3, b3, W4, b4, codebook):
    B = wav_input.shape[0]
    wav = jnp.pad(wav_input, ((0, 0), (0, _WROWS * 80 - 24000)))
    wav = wav.reshape(B, _WROWS, 80)
    w0 = W0.reshape(512, 10).T
    w1 = jnp.transpose(W1, (2, 1, 0))
    w2 = jnp.transpose(W2, (2, 1, 0))
    w3 = jnp.transpose(W3, (2, 1, 0))
    w4 = jnp.transpose(W4, (2, 1, 0))
    cbt = jnp.transpose(codebook, (1, 2, 0))
    biases = [b.reshape(1, 512) for b in (b0, b1, b2, b3, b4)]
    ops = [w0, biases[0], w1, biases[1], w2, biases[2],
           w3, biases[3], w4, biases[4], cbt]

    d0t, d1t = _tc_distances(wav, ops)
    dt = jnp.concatenate([d0t, d1t], axis=0)
    isc = _sc_argmin(dt)
    iv = jnp.concatenate([isc[:, :_TILE], isc[:, 256:256 + (_T5 - _TILE)]],
                         axis=1)
    i0 = iv[:B]
    i1 = iv[B:]
    idx = jnp.stack([i0, i1], axis=-1)
    return idx.reshape(B, _T5 * 2)

# --- scband reference (transcript-rebuilt; emitter-appended) ---
"""Pipeline reference for scband-fairseq-vqwav2-vec-1726576856090 (READ-ONLY COPY).

The authoritative reference and input builder live on the scoring server;
editing this copy changes nothing except your own understanding.
"""

import jax, jax.numpy as jnp
import numpy as np

# vq-wav2vec kmeans feature extractor config: (out_ch, kernel, stride); total downsample = 5*2*2*2*2 = 80
CONV = [(512, 10, 5), (512, 8, 2), (512, 4, 2), (512, 4, 2), (512, 4, 2)]
GROUPS = 2
NUM_VARS = 320  # codebook_size
VAR_DIM = 512 // GROUPS


def conv1d(x, w, b, stride):
    # x: [B, Cin, T], w: [Cout, Cin, K]
    out = jax.lax.conv_general_dilated(
        x, w, window_strides=(stride,), padding='VALID',
        dimension_numbers=('NCH', 'OIH', 'NCH'))
    return out + b[None, :, None]


def setup_inputs(seed: int = 0) -> dict:
    key = jax.random.key(seed)
    ks = jax.random.split(key, 16)
    wav_input = jax.random.normal(ks[0], (2, 24000), dtype=jnp.float32)
    params = {}
    cin = 1
    for i, (cout, k, s) in enumerate(CONV):
        params[f'W{i}'] = jax.random.normal(ks[1 + 2 * i], (cout, cin, k), dtype=jnp.float32) * np.float32(1.0 / np.sqrt(cin * k))
        params[f'b{i}'] = jnp.zeros((cout,), dtype=jnp.float32)
        cin = cout
    codebook = 0.01 * jax.random.normal(ks[12], (NUM_VARS, GROUPS, VAR_DIM), dtype=jnp.float32)
    return {'wav_input': wav_input, **params, 'codebook': codebook}


def reference(wav_input, W0, b0, W1, b1, W2, b2, W3, b3, W4, b4, codebook):
    # feature extractor: strided conv stack + relu, as in fairseq vq-wav2vec
    x = wav_input[:, None, :]  # [B, 1, T]
    params = [(W0, b0), (W1, b1), (W2, b2), (W3, b3), (W4, b4)]
    for (w, b), (_, _, s) in zip(params, CONV):
        x = conv1d(x, w, b, s)
        x = jax.nn.relu(x)
    B, C, T = x.shape
    # kmeans vector quantizer: grouped euclidean nearest-codeword indices
    z = jnp.transpose(x, (0, 2, 1)).reshape(B, T, GROUPS, VAR_DIM)  # [B, T, G, Dv]
    zn = jnp.sum(z ** 2, axis=-1)[..., None]                        # [B, T, G, 1]
    en = jnp.sum(codebook ** 2, axis=-1).T[None, None, :, :]        # [1, 1, G, K]
    cross = jnp.einsum('btgd,kgd->btgk', z, codebook)               # [B, T, G, K]
    d = zn - 2.0 * cross + en                                       # squared distances
    idx = jnp.argmin(d, axis=-1)                                    # [B, T, G]
    # flatten=True: rearrange(codebook_indices, 'b ... -> b (...)')
    return idx.reshape(B, T * GROUPS)

if __name__ == "__main__":
    import jax
    _d = setup_inputs()
    print(jax.jit(kernel)(*tuple(_d.values())))

</pallas_src>

<mosaic_0001>
#map = affine_map<(d0, d1) -> (0, 0, 0)>
#map1 = affine_map<(d0, d1) -> (0, 0)>
module attributes {stable_mosaic.version = 14 : i64} {
  func.func @body(%arg0: i32, %arg1: i32, %arg2: memref<4x320x512xf32, #tpu.memory_space<hbm>>, %arg3: memref<4x512xi32, #tpu.memory_space<hbm>>, %arg4: memref<320x128xf32, #tpu.memory_space<vmem>>, %arg5: memref<128xi32, #tpu.memory_space<vmem>>, %arg6: memref<!tpu.dma_semaphore, #tpu.memory_space<semaphore_mem>>) attributes {dimension_semantics = [#tpu.dimension_semantics<core_parallel>, #tpu.dimension_semantics<subcore_parallel>], iteration_bounds = array<i64: 2, 16>, scalar_prefetch = 0 : i64, scratch_operands = 3 : i64, tpu.core_type = #tpu.core_type<sc_vector_subcore>, window_params = [{transform_indices = #map}, {transform_indices = #map1}]} {
    %mul3A = arith.constant 2 : i32
    %mul3A_0 = arith.muli %arg1, %mul3A : i32
    %add3A = arith.addi %mul3A_0, %arg0 : i32
    %jit3A = arith.constant 16 : i32
    %eq3A = arith.constant 0 : i32
    %eq3A_1 = arith.cmpi eq, %jit3A, %eq3A : i32
    %jit3A_2 = arith.constant 1 : i32
    %select_n3A = arith.select %eq3A_1, %jit3A_2, %jit3A : i32
    %rem3A = arith.remsi %add3A, %select_n3A : i32
    %ne3A = arith.constant 0 : i32
    %ne3A_3 = arith.cmpi ne, %rem3A, %ne3A : i32
    %lt3A = arith.constant 0 : i32
    %lt3A_4 = arith.cmpi slt, %rem3A, %lt3A : i32
    %lt3A_5 = arith.constant 0 : i32
    %lt3A_6 = arith.cmpi slt, %select_n3A, %lt3A_5 : i32
    %ne3A_7 = arith.xori %lt3A_4, %lt3A_6 : i1
    %and3A = arith.andi %ne3A_7, %ne3A_3 : i1
    %add3A_8 = arith.addi %rem3A, %select_n3A : i32
    %select_n3A_9 = arith.select %and3A, %add3A_8, %rem3A : i32
    %jit3A_10 = arith.constant 4 : i32
    %div3A = arith.divsi %select_n3A_9, %jit3A_10 : i32
    %sign3A = arith.constant 0 : i32
    %sign3A_11 = arith.cmpi sgt, %select_n3A_9, %sign3A : i32
    %sign3A_12 = arith.extui %sign3A_11 : i1 to i32
    %sign3A_13 = arith.constant 0 : i32
    %sign3A_14 = arith.cmpi slt, %select_n3A_9, %sign3A_13 : i32
    %sign3A_15 = arith.extui %sign3A_14 : i1 to i32
    %sign3A_16 = arith.subi %sign3A_12, %sign3A_15 : i32
    %sign3A_17 = arith.constant 0 : i32
    %sign3A_18 = arith.cmpi sgt, %jit3A_10, %sign3A_17 : i32
    %sign3A_19 = arith.extui %sign3A_18 : i1 to i32
    %sign3A_20 = arith.constant 0 : i32
    %sign3A_21 = arith.cmpi slt, %jit3A_10, %sign3A_20 : i32
    %sign3A_22 = arith.extui %sign3A_21 : i1 to i32
    %sign3A_23 = arith.subi %sign3A_19, %sign3A_22 : i32
    %ne3A_24 = arith.cmpi ne, %sign3A_16, %sign3A_23 : i32
    %rem3A_25 = arith.remsi %select_n3A_9, %jit3A_10 : i32
    %ne3A_26 = arith.constant 0 : i32
    %ne3A_27 = arith.cmpi ne, %rem3A_25, %ne3A_26 : i32
    %and3A_28 = arith.andi %ne3A_24, %ne3A_27 : i1
    %sub3A = arith.constant 1 : i32
    %sub3A_29 = arith.subi %div3A, %sub3A : i32
    %select_n3A_30 = arith.select %and3A_28, %sub3A_29, %div3A : i32
    %jit3A_31 = arith.constant 4 : i32
    %eq3A_32 = arith.constant 0 : i32
    %eq3A_33 = arith.cmpi eq, %jit3A_31, %eq3A_32 : i32
    %jit3A_34 = arith.constant 1 : i32
    %select_n3A_35 = arith.select %eq3A_33, %jit3A_34, %jit3A_31 : i32
    %rem3A_36 = arith.remsi %select_n3A_9, %select_n3A_35 : i32
    %ne3A_37 = arith.constant 0 : i32
    %ne3A_38 = arith.cmpi ne, %rem3A_36, %ne3A_37 : i32
    %lt3A_39 = arith.constant 0 : i32
    %lt3A_40 = arith.cmpi slt, %rem3A_36, %lt3A_39 : i32
    %lt3A_41 = arith.constant 0 : i32
    %lt3A_42 = arith.cmpi slt, %select_n3A_35, %lt3A_41 : i32
    %ne3A_43 = arith.xori %lt3A_40, %lt3A_42 : i1
    %and3A_44 = arith.andi %ne3A_43, %ne3A_38 : i1
    %add3A_45 = arith.addi %rem3A_36, %select_n3A_35 : i32
    %select_n3A_46 = arith.select %and3A_44, %add3A_45, %rem3A_36 : i32
    %mul3A_47 = arith.constant 128 : i32
    %mul3A_48 = arith.muli %select_n3A_46, %mul3A_47 : i32
    "tpu.region"() ({
      %run_scoped3A = tpu.sem_alloc : memref<!tpu.dma_semaphore, #tpu.memory_space<semaphore_mem>>
      %dma_start3A = arith.constant 0 : i32
      %dma_start3A_158 = tpu.memref_slice %arg2[%select_n3A_30, %dma_start3A, %mul3A_48] : memref<4x320x512xf32, #tpu.memory_space<hbm>> -> memref<1x320x128xf32, #tpu.memory_space<hbm>>
      %dma_start3A_159 = tpu.memref_squeeze %dma_start3A_158 : memref<1x320x128xf32, #tpu.memory_space<hbm>> -> memref<320x128xf32, #tpu.memory_space<hbm>>
      %dma_start3A_160 = arith.constant 0 : i32
      %dma_start3A_161 = tpu.memref_slice %arg2[%select_n3A_30, %dma_start3A_160, %mul3A_48] : memref<4x320x512xf32, #tpu.memory_space<hbm>> -> memref<1x320x128xf32, #tpu.memory_space<hbm>>
      %dma_start3A_162 = tpu.memref_squeeze %dma_start3A_161 : memref<1x320x128xf32, #tpu.memory_space<hbm>> -> memref<320x128xf32, #tpu.memory_space<hbm>>
      tpu.enqueue_dma source(%dma_start3A_162 : memref<320x128xf32, #tpu.memory_space<hbm>>) target(%arg4 : memref<320x128xf32, #tpu.memory_space<vmem>>) target_semaphore(%run_scoped3A : memref<!tpu.dma_semaphore, #tpu.memory_space<semaphore_mem>>)
      %dma_wait3A = arith.constant 0 : i32
      %dma_wait3A_163 = tpu.memref_slice %arg2[%select_n3A_30, %dma_wait3A, %mul3A_48] : memref<4x320x512xf32, #tpu.memory_space<hbm>> -> memref<1x320x128xf32, #tpu.memory_space<hbm>>
      %dma_wait3A_164 = tpu.memref_squeeze %dma_wait3A_163 : memref<1x320x128xf32, #tpu.memory_space<hbm>> -> memref<320x128xf32, #tpu.memory_space<hbm>>
      %dma_wait3A_165 = arith.constant 0 : i32
      %dma_wait3A_166 = tpu.memref_slice %arg2[%select_n3A_30, %dma_wait3A_165, %mul3A_48] : memref<4x320x512xf32, #tpu.memory_space<hbm>> -> memref<1x320x128xf32, #tpu.memory_space<hbm>>
      %dma_wait3A_167 = tpu.memref_squeeze %dma_wait3A_166 : memref<1x320x128xf32, #tpu.memory_space<hbm>> -> memref<320x128xf32, #tpu.memory_space<hbm>>
      tpu.wait_dma2 semaphore(%run_scoped3A : memref<!tpu.dma_semaphore, #tpu.memory_space<semaphore_mem>>) src(%dma_wait3A_167 : memref<320x128xf32, #tpu.memory_space<hbm>>) dst(%arg4 : memref<320x128xf32, #tpu.memory_space<vmem>>)
      tpu.yield
    }) : () -> ()
    %broadcast_in_dim3A = arith.constant 0x7F800000 : f32
    %broadcast_in_dim3A_49 = vector.broadcast %broadcast_in_dim3A : f32 to vector<16xf32>
    %broadcast_in_dim3A_50 = arith.constant 0 : i32
    %broadcast_in_dim3A_51 = vector.broadcast %broadcast_in_dim3A_50 : i32 to vector<16xi32>
    %scan3A = arith.constant 0 : i32
    %scan3A_52 = arith.constant 320 : i32
    %scan3A_53 = arith.addi %scan3A, %scan3A_52 : i32
    %scan3A_54 = arith.constant 1 : i32
    %scan3A_55:2 = scf.for %scan3A_158 = %scan3A to %scan3A_53 step %scan3A_54 iter_args(%scan3A_159 = %broadcast_in_dim3A_49, %scan3A_160 = %broadcast_in_dim3A_51) -> (vector<16xf32>, vector<16xi32>)  : i32 {
      %get3A = arith.index_cast %scan3A_158 : i32 to index
      %get3A_161 = arith.constant 0 : index
      %get3A_162 = tpu.vector_load %arg4[%get3A, %get3A_161] {strides = array<i32>} : memref<320x128xf32, #tpu.memory_space<vmem>>, vector<1x16xf32>,
      %get3A_163 = vector.shape_cast %get3A_162 : vector<1x16xf32> to vector<16xf32>
      %lt3A_164 = arith.cmpf olt, %get3A_163, %scan3A_159 : vector<16xf32>
      %broadcast_in_dim3A_165 = vector.broadcast %scan3A_158 : i32 to vector<16xi32>
      %select_n3A_166 = arith.select %lt3A_164, %get3A_163, %scan3A_159 : vector<16xi1>, vector<16xf32>
      %select_n3A_167 = arith.select %lt3A_164, %broadcast_in_dim3A_165, %scan3A_160 : vector<16xi1>, vector<16xi32>
      scf.yield %select_n3A_166, %select_n3A_167 : vector<16xf32>, vector<16xi32>
    }
    %scan3A_56 = arith.constant 320 : i32
    %swap3A = arith.constant 0 : index
    %swap3A_57 = tpu.vector_load %arg5[%swap3A] {strides = array<i32>} : memref<128xi32, #tpu.memory_space<vmem>>, vector<16xi32>,
    %swap3A_58 = vector.shape_cast %swap3A_57 : vector<16xi32> to vector<16xi32>
    %swap3A_59 = vector.shape_cast %scan3A_55#1 : vector<16xi32> to vector<16xi32>
    tpu.vector_store %arg5[%swap3A], %swap3A_59 {strides = array<i32>} : memref<128xi32, #tpu.memory_space<vmem>>, vector<16xi32>,
    %broadcast_in_dim3A_60 = arith.constant 0x7F800000 : f32
    %broadcast_in_dim3A_61 = vector.broadcast %broadcast_in_dim3A_60 : f32 to vector<16xf32>
    %broadcast_in_dim3A_62 = arith.constant 0 : i32
    %broadcast_in_dim3A_63 = vector.broadcast %broadcast_in_dim3A_62 : i32 to vector<16xi32>
    %scan3A_64 = arith.constant 0 : i32
    %scan3A_65 = arith.constant 320 : i32
    %scan3A_66 = arith.addi %scan3A_64, %scan3A_65 : i32
    %scan3A_67 = arith.constant 1 : i32
    %scan3A_68:2 = scf.for %scan3A_158 = %scan3A_64 to %scan3A_66 step %scan3A_67 iter_args(%scan3A_159 = %broadcast_in_dim3A_61, %scan3A_160 = %broadcast_in_dim3A_63) -> (vector<16xf32>, vector<16xi32>)  : i32 {
      %get3A = arith.index_cast %scan3A_158 : i32 to index
      %get3A_161 = arith.constant 16 : index
      %get3A_162 = tpu.vector_load %arg4[%get3A, %get3A_161] {strides = array<i32>} : memref<320x128xf32, #tpu.memory_space<vmem>>, vector<1x16xf32>,
      %get3A_163 = vector.shape_cast %get3A_162 : vector<1x16xf32> to vector<16xf32>
      %lt3A_164 = arith.cmpf olt, %get3A_163, %scan3A_159 : vector<16xf32>
      %broadcast_in_dim3A_165 = vector.broadcast %scan3A_158 : i32 to vector<16xi32>
      %select_n3A_166 = arith.select %lt3A_164, %get3A_163, %scan3A_159 : vector<16xi1>, vector<16xf32>
      %select_n3A_167 = arith.select %lt3A_164, %broadcast_in_dim3A_165, %scan3A_160 : vector<16xi1>, vector<16xi32>
      scf.yield %select_n3A_166, %select_n3A_167 : vector<16xf32>, vector<16xi32>
    }
    %scan3A_69 = arith.constant 320 : i32
    %swap3A_70 = arith.constant 16 : index
    %swap3A_71 = tpu.vector_load %arg5[%swap3A_70] {strides = array<i32>} : memref<128xi32, #tpu.memory_space<vmem>>, vector<16xi32>,
    %swap3A_72 = vector.shape_cast %swap3A_71 : vector<16xi32> to vector<16xi32>
    %swap3A_73 = vector.shape_cast %scan3A_68#1 : vector<16xi32> to vector<16xi32>
    tpu.vector_store %arg5[%swap3A_70], %swap3A_73 {strides = array<i32>} : memref<128xi32, #tpu.memory_space<vmem>>, vector<16xi32>,
    %broadcast_in_dim3A_74 = arith.constant 0x7F800000 : f32
    %broadcast_in_dim3A_75 = vector.broadcast %broadcast_in_dim3A_74 : f32 to vector<16xf32>
    %broadcast_in_dim3A_76 = arith.constant 0 : i32
    %broadcast_in_dim3A_77 = vector.broadcast %broadcast_in_dim3A_76 : i32 to vector<16xi32>
    %scan3A_78 = arith.constant 0 : i32
    %scan3A_79 = arith.constant 320 : i32
    %scan3A_80 = arith.addi %scan3A_78, %scan3A_79 : i32
    %scan3A_81 = arith.constant 1 : i32
    %scan3A_82:2 = scf.for %scan3A_158 = %scan3A_78 to %scan3A_80 step %scan3A_81 iter_args(%scan3A_159 = %broadcast_in_dim3A_75, %scan3A_160 = %broadcast_in_dim3A_77) -> (vector<16xf32>, vector<16xi32>)  : i32 {
      %get3A = arith.index_cast %scan3A_158 : i32 to index
      %get3A_161 = arith.constant 32 : index
      %get3A_162 = tpu.vector_load %arg4[%get3A, %get3A_161] {strides = array<i32>} : memref<320x128xf32, #tpu.memory_space<vmem>>, vector<1x16xf32>,
      %get3A_163 = vector.shape_cast %get3A_162 : vector<1x16xf32> to vector<16xf32>
      %lt3A_164 = arith.cmpf olt, %get3A_163, %scan3A_159 : vector<16xf32>
      %broadcast_in_dim3A_165 = vector.broadcast %scan3A_158 : i32 to vector<16xi32>
      %select_n3A_166 = arith.select %lt3A_164, %get3A_163, %scan3A_159 : vector<16xi1>, vector<16xf32>
      %select_n3A_167 = arith.select %lt3A_164, %broadcast_in_dim3A_165, %scan3A_160 : vector<16xi1>, vector<16xi32>
      scf.yield %select_n3A_166, %select_n3A_167 : vector<16xf32>, vector<16xi32>
    }
    %scan3A_83 = arith.constant 320 : i32
    %swap3A_84 = arith.constant 32 : index
    %swap3A_85 = tpu.vector_load %arg5[%swap3A_84] {strides = array<i32>} : memref<128xi32, #tpu.memory_space<vmem>>, vector<16xi32>,
    %swap3A_86 = vector.shape_cast %swap3A_85 : vector<16xi32> to vector<16xi32>
    %swap3A_87 = vector.shape_cast %scan3A_82#1 : vector<16xi32> to vector<16xi32>
    tpu.vector_store %arg5[%swap3A_84], %swap3A_87 {strides = array<i32>} : memref<128xi32, #tpu.memory_space<vmem>>, vector<16xi32>,
    %broadcast_in_dim3A_88 = arith.constant 0x7F800000 : f32
    %broadcast_in_dim3A_89 = vector.broadcast %broadcast_in_dim3A_88 : f32 to vector<16xf32>
    %broadcast_in_dim3A_90 = arith.constant 0 : i32
    %broadcast_in_dim3A_91 = vector.broadcast %broadcast_in_dim3A_90 : i32 to vector<16xi32>
    %scan3A_92 = arith.constant 0 : i32
    %scan3A_93 = arith.constant 320 : i32
    %scan3A_94 = arith.addi %scan3A_92, %scan3A_93 : i32
    %scan3A_95 = arith.constant 1 : i32
    %scan3A_96:2 = scf.for %scan3A_158 = %scan3A_92 to %scan3A_94 step %scan3A_95 iter_args(%scan3A_159 = %broadcast_in_dim3A_89, %scan3A_160 = %broadcast_in_dim3A_91) -> (vector<16xf32>, vector<16xi32>)  : i32 {
      %get3A = arith.index_cast %scan3A_158 : i32 to index
      %get3A_161 = arith.constant 48 : index
      %get3A_162 = tpu.vector_load %arg4[%get3A, %get3A_161] {strides = array<i32>} : memref<320x128xf32, #tpu.memory_space<vmem>>, vector<1x16xf32>,
      %get3A_163 = vector.shape_cast %get3A_162 : vector<1x16xf32> to vector<16xf32>
      %lt3A_164 = arith.cmpf olt, %get3A_163, %scan3A_159 : vector<16xf32>
      %broadcast_in_dim3A_165 = vector.broadcast %scan3A_158 : i32 to vector<16xi32>
      %select_n3A_166 = arith.select %lt3A_164, %get3A_163, %scan3A_159 : vector<16xi1>, vector<16xf32>
      %select_n3A_167 = arith.select %lt3A_164, %broadcast_in_dim3A_165, %scan3A_160 : vector<16xi1>, vector<16xi32>
      scf.yield %select_n3A_166, %select_n3A_167 : vector<16xf32>, vector<16xi32>
    }
    %scan3A_97 = arith.constant 320 : i32
    %swap3A_98 = arith.constant 48 : index
    %swap3A_99 = tpu.vector_load %arg5[%swap3A_98] {strides = array<i32>} : memref<128xi32, #tpu.memory_space<vmem>>, vector<16xi32>,
    %swap3A_100 = vector.shape_cast %swap3A_99 : vector<16xi32> to vector<16xi32>
    %swap3A_101 = vector.shape_cast %scan3A_96#1 : vector<16xi32> to vector<16xi32>
    tpu.vector_store %arg5[%swap3A_98], %swap3A_101 {strides = array<i32>} : memref<128xi32, #tpu.memory_space<vmem>>, vector<16xi32>,
    %broadcast_in_dim3A_102 = arith.constant 0x7F800000 : f32
    %broadcast_in_dim3A_103 = vector.broadcast %broadcast_in_dim3A_102 : f32 to vector<16xf32>
    %broadcast_in_dim3A_104 = arith.constant 0 : i32
    %broadcast_in_dim3A_105 = vector.broadcast %broadcast_in_dim3A_104 : i32 to vector<16xi32>
    %scan3A_106 = arith.constant 0 : i32
    %scan3A_107 = arith.constant 320 : i32
    %scan3A_108 = arith.addi %scan3A_106, %scan3A_107 : i32
    %scan3A_109 = arith.constant 1 : i32
    %scan3A_110:2 = scf.for %scan3A_158 = %scan3A_106 to %scan3A_108 step %scan3A_109 iter_args(%scan3A_159 = %broadcast_in_dim3A_103, %scan3A_160 = %broadcast_in_dim3A_105) -> (vector<16xf32>, vector<16xi32>)  : i32 {
      %get3A = arith.index_cast %scan3A_158 : i32 to index
      %get3A_161 = arith.constant 64 : index
      %get3A_162 = tpu.vector_load %arg4[%get3A, %get3A_161] {strides = array<i32>} : memref<320x128xf32, #tpu.memory_space<vmem>>, vector<1x16xf32>,
      %get3A_163 = vector.shape_cast %get3A_162 : vector<1x16xf32> to vector<16xf32>
      %lt3A_164 = arith.cmpf olt, %get3A_163, %scan3A_159 : vector<16xf32>
      %broadcast_in_dim3A_165 = vector.broadcast %scan3A_158 : i32 to vector<16xi32>
      %select_n3A_166 = arith.select %lt3A_164, %get3A_163, %scan3A_159 : vector<16xi1>, vector<16xf32>
      %select_n3A_167 = arith.select %lt3A_164, %broadcast_in_dim3A_165, %scan3A_160 : vector<16xi1>, vector<16xi32>
      scf.yield %select_n3A_166, %select_n3A_167 : vector<16xf32>, vector<16xi32>
    }
    %scan3A_111 = arith.constant 320 : i32
    %swap3A_112 = arith.constant 64 : index
    %swap3A_113 = tpu.vector_load %arg5[%swap3A_112] {strides = array<i32>} : memref<128xi32, #tpu.memory_space<vmem>>, vector<16xi32>,
    %swap3A_114 = vector.shape_cast %swap3A_113 : vector<16xi32> to vector<16xi32>
    %swap3A_115 = vector.shape_cast %scan3A_110#1 : vector<16xi32> to vector<16xi32>
    tpu.vector_store %arg5[%swap3A_112], %swap3A_115 {strides = array<i32>} : memref<128xi32, #tpu.memory_space<vmem>>, vector<16xi32>,
    %broadcast_in_dim3A_116 = arith.constant 0x7F800000 : f32
    %broadcast_in_dim3A_117 = vector.broadcast %broadcast_in_dim3A_116 : f32 to vector<16xf32>
    %broadcast_in_dim3A_118 = arith.constant 0 : i32
    %broadcast_in_dim3A_119 = vector.broadcast %broadcast_in_dim3A_118 : i32 to vector<16xi32>
    %scan3A_120 = arith.constant 0 : i32
    %scan3A_121 = arith.constant 320 : i32
    %scan3A_122 = arith.addi %scan3A_120, %scan3A_121 : i32
    %scan3A_123 = arith.constant 1 : i32
    %scan3A_124:2 = scf.for %scan3A_158 = %scan3A_120 to %scan3A_122 step %scan3A_123 iter_args(%scan3A_159 = %broadcast_in_dim3A_117, %scan3A_160 = %broadcast_in_dim3A_119) -> (vector<16xf32>, vector<16xi32>)  : i32 {
      %get3A = arith.index_cast %scan3A_158 : i32 to index
      %get3A_161 = arith.constant 80 : index
      %get3A_162 = tpu.vector_load %arg4[%get3A, %get3A_161] {strides = array<i32>} : memref<320x128xf32, #tpu.memory_space<vmem>>, vector<1x16xf32>,
      %get3A_163 = vector.shape_cast %get3A_162 : vector<1x16xf32> to vector<16xf32>
      %lt3A_164 = arith.cmpf olt, %get3A_163, %scan3A_159 : vector<16xf32>
      %broadcast_in_dim3A_165 = vector.broadcast %scan3A_158 : i32 to vector<16xi32>
      %select_n3A_166 = arith.select %lt3A_164, %get3A_163, %scan3A_159 : vector<16xi1>, vector<16xf32>
      %select_n3A_167 = arith.select %lt3A_164, %broadcast_in_dim3A_165, %scan3A_160 : vector<16xi1>, vector<16xi32>
      scf.yield %select_n3A_166, %select_n3A_167 : vector<16xf32>, vector<16xi32>
    }
    %scan3A_125 = arith.constant 320 : i32
    %swap3A_126 = arith.constant 80 : index
    %swap3A_127 = tpu.vector_load %arg5[%swap3A_126] {strides = array<i32>} : memref<128xi32, #tpu.memory_space<vmem>>, vector<16xi32>,
    %swap3A_128 = vector.shape_cast %swap3A_127 : vector<16xi32> to vector<16xi32>
    %swap3A_129 = vector.shape_cast %scan3A_124#1 : vector<16xi32> to vector<16xi32>
    tpu.vector_store %arg5[%swap3A_126], %swap3A_129 {strides = array<i32>} : memref<128xi32, #tpu.memory_space<vmem>>, vector<16xi32>,
    %broadcast_in_dim3A_130 = arith.constant 0x7F800000 : f32
    %broadcast_in_dim3A_131 = vector.broadcast %broadcast_in_dim3A_130 : f32 to vector<16xf32>
    %broadcast_in_dim3A_132 = arith.constant 0 : i32
    %broadcast_in_dim3A_133 = vector.broadcast %broadcast_in_dim3A_132 : i32 to vector<16xi32>
    %scan3A_134 = arith.constant 0 : i32
    %scan3A_135 = arith.constant 320 : i32
    %scan3A_136 = arith.addi %scan3A_134, %scan3A_135 : i32
    %scan3A_137 = arith.constant 1 : i32
    %scan3A_138:2 = scf.for %scan3A_158 = %scan3A_134 to %scan3A_136 step %scan3A_137 iter_args(%scan3A_159 = %broadcast_in_dim3A_131, %scan3A_160 = %broadcast_in_dim3A_133) -> (vector<16xf32>, vector<16xi32>)  : i32 {
      %get3A = arith.index_cast %scan3A_158 : i32 to index
      %get3A_161 = arith.constant 96 : index
      %get3A_162 = tpu.vector_load %arg4[%get3A, %get3A_161] {strides = array<i32>} : memref<320x128xf32, #tpu.memory_space<vmem>>, vector<1x16xf32>,
      %get3A_163 = vector.shape_cast %get3A_162 : vector<1x16xf32> to vector<16xf32>
      %lt3A_164 = arith.cmpf olt, %get3A_163, %scan3A_159 : vector<16xf32>
      %broadcast_in_dim3A_165 = vector.broadcast %scan3A_158 : i32 to vector<16xi32>
      %select_n3A_166 = arith.select %lt3A_164, %get3A_163, %scan3A_159 : vector<16xi1>, vector<16xf32>
      %select_n3A_167 = arith.select %lt3A_164, %broadcast_in_dim3A_165, %scan3A_160 : vector<16xi1>, vector<16xi32>
      scf.yield %select_n3A_166, %select_n3A_167 : vector<16xf32>, vector<16xi32>
    }
    %scan3A_139 = arith.constant 320 : i32
    %swap3A_140 = arith.constant 96 : index
    %swap3A_141 = tpu.vector_load %arg5[%swap3A_140] {strides = array<i32>} : memref<128xi32, #tpu.memory_space<vmem>>, vector<16xi32>,
    %swap3A_142 = vector.shape_cast %swap3A_141 : vector<16xi32> to vector<16xi32>
    %swap3A_143 = vector.shape_cast %scan3A_138#1 : vector<16xi32> to vector<16xi32>
    tpu.vector_store %arg5[%swap3A_140], %swap3A_143 {strides = array<i32>} : memref<128xi32, #tpu.memory_space<vmem>>, vector<16xi32>,
    %broadcast_in_dim3A_144 = arith.constant 0x7F800000 : f32
    %broadcast_in_dim3A_145 = vector.broadcast %broadcast_in_dim3A_144 : f32 to vector<16xf32>
    %broadcast_in_dim3A_146 = arith.constant 0 : i32
    %broadcast_in_dim3A_147 = vector.broadcast %broadcast_in_dim3A_146 : i32 to vector<16xi32>
    %scan3A_148 = arith.constant 0 : i32
    %scan3A_149 = arith.constant 320 : i32
    %scan3A_150 = arith.addi %scan3A_148, %scan3A_149 : i32
    %scan3A_151 = arith.constant 1 : i32
    %scan3A_152:2 = scf.for %scan3A_158 = %scan3A_148 to %scan3A_150 step %scan3A_151 iter_args(%scan3A_159 = %broadcast_in_dim3A_145, %scan3A_160 = %broadcast_in_dim3A_147) -> (vector<16xf32>, vector<16xi32>)  : i32 {
      %get3A = arith.index_cast %scan3A_158 : i32 to index
      %get3A_161 = arith.constant 112 : index
      %get3A_162 = tpu.vector_load %arg4[%get3A, %get3A_161] {strides = array<i32>} : memref<320x128xf32, #tpu.memory_space<vmem>>, vector<1x16xf32>,
      %get3A_163 = vector.shape_cast %get3A_162 : vector<1x16xf32> to vector<16xf32>
      %lt3A_164 = arith.cmpf olt, %get3A_163, %scan3A_159 : vector<16xf32>
      %broadcast_in_dim3A_165 = vector.broadcast %scan3A_158 : i32 to vector<16xi32>
      %select_n3A_166 = arith.select %lt3A_164, %get3A_163, %scan3A_159 : vector<16xi1>, vector<16xf32>
      %select_n3A_167 = arith.select %lt3A_164, %broadcast_in_dim3A_165, %scan3A_160 : vector<16xi1>, vector<16xi32>
      scf.yield %select_n3A_166, %select_n3A_167 : vector<16xf32>, vector<16xi32>
    }
    %scan3A_153 = arith.constant 320 : i32
    %swap3A_154 = arith.constant 112 : index
    %swap3A_155 = tpu.vector_load %arg5[%swap3A_154] {strides = array<i32>} : memref<128xi32, #tpu.memory_space<vmem>>, vector<16xi32>,
    %swap3A_156 = vector.shape_cast %swap3A_155 : vector<16xi32> to vector<16xi32>
    %swap3A_157 = vector.shape_cast %scan3A_152#1 : vector<16xi32> to vector<16xi32>
    tpu.vector_store %arg5[%swap3A_154], %swap3A_157 {strides = array<i32>} : memref<128xi32, #tpu.memory_space<vmem>>, vector<16xi32>,
    "tpu.region"() ({
      %run_scoped3A = tpu.sem_alloc : memref<!tpu.dma_semaphore, #tpu.memory_space<semaphore_mem>>
      %dma_start3A = tpu.memref_slice %arg3[%select_n3A_30, %mul3A_48] : memref<4x512xi32, #tpu.memory_space<hbm>> -> memref<1x128xi32, #tpu.memory_space<hbm>>
      %dma_start3A_158 = tpu.memref_squeeze %dma_start3A : memref<1x128xi32, #tpu.memory_space<hbm>> -> memref<128xi32, #tpu.memory_space<hbm>>
      %dma_start3A_159 = tpu.memref_slice %arg3[%select_n3A_30, %mul3A_48] : memref<4x512xi32, #tpu.memory_space<hbm>> -> memref<1x128xi32, #tpu.memory_space<hbm>>
      %dma_start3A_160 = tpu.memref_squeeze %dma_start3A_159 : memref<1x128xi32, #tpu.memory_space<hbm>> -> memref<128xi32, #tpu.memory_space<hbm>>
      tpu.enqueue_dma source(%arg5 : memref<128xi32, #tpu.memory_space<vmem>>) target(%dma_start3A_160 : memref<128xi32, #tpu.memory_space<hbm>>) target_semaphore(%run_scoped3A : memref<!tpu.dma_semaphore, #tpu.memory_space<semaphore_mem>>)
      %dma_wait3A = tpu.memref_slice %arg3[%select_n3A_30, %mul3A_48] : memref<4x512xi32, #tpu.memory_space<hbm>> -> memref<1x128xi32, #tpu.memory_space<hbm>>
      %dma_wait3A_161 = tpu.memref_squeeze %dma_wait3A : memref<1x128xi32, #tpu.memory_space<hbm>> -> memref<128xi32, #tpu.memory_space<hbm>>
      %dma_wait3A_162 = tpu.memref_slice %arg3[%select_n3A_30, %mul3A_48] : memref<4x512xi32, #tpu.memory_space<hbm>> -> memref<1x128xi32, #tpu.memory_space<hbm>>
      %dma_wait3A_163 = tpu.memref_squeeze %dma_wait3A_162 : memref<1x128xi32, #tpu.memory_space<hbm>> -> memref<128xi32, #tpu.memory_space<hbm>>
      tpu.wait_dma2 semaphore(%run_scoped3A : memref<!tpu.dma_semaphore, #tpu.memory_space<semaphore_mem>>) src(%arg5 : memref<128xi32, #tpu.memory_space<vmem>>) dst(%dma_wait3A_163 : memref<128xi32, #tpu.memory_space<hbm>>)
      tpu.yield
    }) : () -> ()
    return
  }
}

module attributes {stable_mosaic.version = 14 : i64} {
  func.func @_body(%arg0: i32, %arg1: i32, %arg2: memref<1x312x80xf32, #tpu.memory_space<vmem>>, %arg3: memref<10x512xf32, #tpu.memory_space<vmem>>, %arg4: memref<1x512xf32, #tpu.memory_space<vmem>>, %arg5: memref<8x512x512xf32, #tpu.memory_space<vmem>>, %arg6: memref<1x512xf32, #tpu.memory_space<vmem>>, %arg7: memref<4x512x512xf32, #tpu.memory_space<vmem>>, %arg8: memref<1x512xf32, #tpu.memory_space<vmem>>, %arg9: memref<4x512x512xf32, #tpu.memory_space<vmem>>, %arg10: memref<1x512xf32, #tpu.memory_space<vmem>>, %arg11: memref<4x512x512xf32, #tpu.memory_space<vmem>>, %arg12: memref<1x512xf32, #tpu.memory_space<vmem>>, %arg13: memref<2x256x320xf32, #tpu.memory_space<vmem>>, %arg14: memref<1x320x256xf32, #tpu.memory_space<vmem>>, %arg15: memref<1x320x256xf32, #tpu.memory_space<vmem>>) attributes {dimension_semantics = [#tpu.dimension_semantics<arbitrary>, #tpu.dimension_semantics<arbitrary>], iteration_bounds = array<i64: 2, 2>, scalar_prefetch = 0 : i64, scratch_operands = 0 : i64, tpu.core_type = #tpu.core_type<tc>, window_params = [{transform_indices = @transform_0, window_bounds = array<i64: 1, 312, 80>}, {pipeline_mode = #tpu.pipeline_mode<synchronous>, transform_indices = @transform_1, window_bounds = array<i64: 10, 512>}, {pipeline_mode = #tpu.pipeline_mode<synchronous>, transform_indices = @transform_2, window_bounds = array<i64: 1, 512>}, {pipeline_mode = #tpu.pipeline_mode<synchronous>, transform_indices = @transform_3, window_bounds = array<i64: 8, 512, 512>}, {pipeline_mode = #tpu.pipeline_mode<synchronous>, transform_indices = @transform_4, window_bounds = array<i64: 1, 512>}, {pipeline_mode = #tpu.pipeline_mode<synchronous>, transform_indices = @transform_5, window_bounds = array<i64: 4, 512, 512>}, {pipeline_mode = #tpu.pipeline_mode<synchronous>, transform_indices = @transform_6, window_bounds = array<i64: 1, 512>}, {pipeline_mode = #tpu.pipeline_mode<synchronous>, transform_indices = @transform_7, window_bounds = array<i64: 4, 512, 512>}, {pipeline_mode = #tpu.pipeline_mode<synchronous>, transform_indices = @transform_8, window_bounds = array<i64: 1, 512>}, {pipeline_mode = #tpu.pipeline_mode<synchronous>, transform_indices = @transform_9, window_bounds = array<i64: 4, 512, 512>}, {pipeline_mode = #tpu.pipeline_mode<synchronous>, transform_indices = @transform_10, window_bounds = array<i64: 1, 512>}, {pipeline_mode = #tpu.pipeline_mode<synchronous>, transform_indices = @transform_11, window_bounds = array<i64: 2, 256, 320>}, {transform_indices = @transform_12, window_bounds = array<i64: 1, 320, 256>}, {transform_indices = @transform_13, window_bounds = array<i64: 1, 320, 256>}]} {
    %mul3A = arith.constant 152 : i32
    %mul3A_0 = arith.muli %mul3A, %arg1 : i32
    %get3A = arith.constant 0 : index
    %get3A_1 = arith.index_cast %mul3A_0 : i32 to index
    %get3A_2 = arith.constant 0 : index
    %get3A_3 = vector.load %arg2[%get3A, %get3A_1, %get3A_2] : memref<1x312x80xf32, #tpu.memory_space<vmem>>, vector<1x158x80xf32>
    %get3A_4 = vector.shape_cast %get3A_3 : vector<1x158x80xf32> to vector<158x80xf32>
    %get3A_5 = arith.constant 0 : index
    %get3A_6 = arith.constant 0 : index
    %get3A_7 = vector.load %arg4[%get3A_5, %get3A_6] : memref<1x512xf32, #tpu.memory_space<vmem>>, vector<1x512xf32>
    %get3A_8 = arith.constant 0 : index
    %get3A_9 = arith.constant 0 : index
    %get3A_10 = vector.load %arg3[%get3A_8, %get3A_9] : memref<10x512xf32, #tpu.memory_space<vmem>>, vector<10x512xf32>
    %slice3A = vector.extract_strided_slice %get3A_4 {offsets = [0, 0], sizes = [157, 10], strides = [1, 1]} : vector<158x80xf32> to vector<157x10xf32>
    %convert_element_type3A = arith.truncf %slice3A : vector<157x10xf32> to vector<157x10xbf16>
    %convert_element_type3A_11 = arith.truncf %get3A_10 : vector<10x512xf32> to vector<10x512xbf16>
    %dot_general3A = arith.constant dense<0.000000e+00> : vector<157x512xf32>
    %dot_general3A_12 = tpu.matmul %convert_element_type3A, %convert_element_type3A_11, %dot_general3A {dimension_numbers = #tpu.dot_dimension_numbers<[1], [0], [0], [1], [0, 0, 1, 1], [], []>, transpose_lhs_hint = false} : vector<157x10xbf16>, vector<10x512xbf16>, vector<157x512xf32> -> vector<157x512xf32>
    %add3A = vector.broadcast %get3A_7 : vector<1x512xf32> to vector<157x512xf32>
    %add3A_13 = arith.addf %dot_general3A_12, %add3A : vector<157x512xf32>
    %max3A = arith.constant 0.000000e+00 : f32
    %max3A_14 = vector.broadcast %max3A : f32 to vector<157x512xf32>
    %max3A_15 = arith.maximumf %add3A_13, %max3A_14 : vector<157x512xf32>
    %slice3A_16 = vector.extract_strided_slice %get3A_4 {offsets = [0, 5], sizes = [157, 10], strides = [1, 1]} : vector<158x80xf32> to vector<157x10xf32>
    %convert_element_type3A_17 = arith.truncf %slice3A_16 : vector<157x10xf32> to vector<157x10xbf16>
    %convert_element_type3A_18 = arith.truncf %get3A_10 : vector<10x512xf32> to vector<10x512xbf16>
    %dot_general3A_19 = arith.constant dense<0.000000e+00> : vector<157x512xf32>
    %dot_general3A_20 = tpu.matmul %convert_element_type3A_17, %convert_element_type3A_18, %dot_general3A_19 {dimension_numbers = #tpu.dot_dimension_numbers<[1], [0], [0], [1], [0, 0, 1, 1], [], []>, transpose_lhs_hint = false} : vector<157x10xbf16>, vector<10x512xbf16>, vector<157x512xf32> -> vector<157x512xf32>
    %add3A_21 = vector.broadcast %get3A_7 : vector<1x512xf32> to vector<157x512xf32>
    %add3A_22 = arith.addf %dot_general3A_20, %add3A_21 : vector<157x512xf32>
    %max3A_23 = arith.constant 0.000000e+00 : f32
    %max3A_24 = vector.broadcast %max3A_23 : f32 to vector<157x512xf32>
    %max3A_25 = arith.maximumf %add3A_22, %max3A_24 : vector<157x512xf32>
    %slice3A_26 = vector.extract_strided_slice %get3A_4 {offsets = [0, 10], sizes = [157, 10], strides = [1, 1]} : vector<158x80xf32> to vector<157x10xf32>
    %convert_element_type3A_27 = arith.truncf %slice3A_26 : vector<157x10xf32> to vector<157x10xbf16>
    %convert_element_type3A_28 = arith.truncf %get3A_10 : vector<10x512xf32> to vector<10x512xbf16>
    %dot_general3A_29 = arith.constant dense<0.000000e+00> : vector<157x512xf32>
    %dot_general3A_30 = tpu.matmul %convert_element_type3A_27, %convert_element_type3A_28, %dot_general3A_29 {dimension_numbers = #tpu.dot_dimension_numbers<[1], [0], [0], [1], [0, 0, 1, 1], [], []>, transpose_lhs_hint = false} : vector<157x10xbf16>, vector<10x512xbf16>, vector<157x512xf32> -> vector<157x512xf32>
    %add3A_31 = vector.broadcast %get3A_7 : vector<1x512xf32> to vector<157x512xf32>
    %add3A_32 = arith.addf %dot_general3A_30, %add3A_31 : vector<157x512xf32>
    %max3A_33 = arith.constant 0.000000e+00 : f32
    %max3A_34 = vector.broadcast %max3A_33 : f32 to vector<157x512xf32>
    %max3A_35 = arith.maximumf %add3A_32, %max3A_34 : vector<157x512xf32>
    %slice3A_36 = vector.extract_strided_slice %get3A_4 {offsets = [0, 15], sizes = [157, 10], strides = [1, 1]} : vector<158x80xf32> to vector<157x10xf32>
    %convert_element_type3A_37 = arith.truncf %slice3A_36 : vector<157x10xf32> to vector<157x10xbf16>
    %convert_element_type3A_38 = arith.truncf %get3A_10 : vector<10x512xf32> to vector<10x512xbf16>
    %dot_general3A_39 = arith.constant dense<0.000000e+00> : vector<157x512xf32>
    %dot_general3A_40 = tpu.matmul %convert_element_type3A_37, %convert_element_type3A_38, %dot_general3A_39 {dimension_numbers = #tpu.dot_dimension_numbers<[1], [0], [0], [1], [0, 0, 1, 1], [], []>, transpose_lhs_hint = false} : vector<157x10xbf16>, vector<10x512xbf16>, vector<157x512xf32> -> vector<157x512xf32>
    %add3A_41 = vector.broadcast %get3A_7 : vector<1x512xf32> to vector<157x512xf32>
    %add3A_42 = arith.addf %dot_general3A_40, %add3A_41 : vector<157x512xf32>
    %max3A_43 = arith.constant 0.000000e+00 : f32
    %max3A_44 = vector.broadcast %max3A_43 : f32 to vector<157x512xf32>
    %max3A_45 = arith.maximumf %add3A_42, %max3A_44 : vector<157x512xf32>
    %slice3A_46 = vector.extract_strided_slice %get3A_4 {offsets = [0, 20], sizes = [157, 10], strides = [1, 1]} : vector<158x80xf32> to vector<157x10xf32>
    %convert_element_type3A_47 = arith.truncf %slice3A_46 : vector<157x10xf32> to vector<157x10xbf16>
    %convert_element_type3A_48 = arith.truncf %get3A_10 : vector<10x512xf32> to vector<10x512xbf16>
    %dot_general3A_49 = arith.constant dense<0.000000e+00> : vector<157x512xf32>
    %dot_general3A_50 = tpu.matmul %convert_element_type3A_47, %convert_element_type3A_48, %dot_general3A_49 {dimension_numbers = #tpu.dot_dimension_numbers<[1], [0], [0], [1], [0, 0, 1, 1], [], []>, transpose_lhs_hint = false} : vector<157x10xbf16>, vector<10x512xbf16>, vector<157x512xf32> -> vector<157x512xf32>
    %add3A_51 = vector.broadcast %get3A_7 : vector<1x512xf32> to vector<157x512xf32>
    %add3A_52 = arith.addf %dot_general3A_50, %add3A_51 : vector<157x512xf32>
    %max3A_53 = arith.constant 0.000000e+00 : f32
    %max3A_54 = vector.broadcast %max3A_53 : f32 to vector<157x512xf32>
    %max3A_55 = arith.maximumf %add3A_52, %max3A_54 : vector<157x512xf32>
    %slice3A_56 = vector.extract_strided_slice %get3A_4 {offsets = [0, 25], sizes = [157, 10], strides = [1, 1]} : vector<158x80xf32> to vector<157x10xf32>
    %convert_element_type3A_57 = arith.truncf %slice3A_56 : vector<157x10xf32> to vector<157x10xbf16>
    %convert_element_type3A_58 = arith.truncf %get3A_10 : vector<10x512xf32> to vector<10x512xbf16>
    %dot_general3A_59 = arith.constant dense<0.000000e+00> : vector<157x512xf32>
    %dot_general3A_60 = tpu.matmul %convert_element_type3A_57, %convert_element_type3A_58, %dot_general3A_59 {dimension_numbers = #tpu.dot_dimension_numbers<[1], [0], [0], [1], [0, 0, 1, 1], [], []>, transpose_lhs_hint = false} : vector<157x10xbf16>, vector<10x512xbf16>, vector<157x512xf32> -> vector<157x512xf32>
    %add3A_61 = vector.broadcast %get3A_7 : vector<1x512xf32> to vector<157x512xf32>
    %add3A_62 = arith.addf %dot_general3A_60, %add3A_61 : vector<157x512xf32>
    %max3A_63 = arith.constant 0.000000e+00 : f32
    %max3A_64 = vector.broadcast %max3A_63 : f32 to vector<157x512xf32>
    %max3A_65 = arith.maximumf %add3A_62, %max3A_64 : vector<157x512xf32>
    %slice3A_66 = vector.extract_strided_slice %get3A_4 {offsets = [0, 30], sizes = [157, 10], strides = [1, 1]} : vector<158x80xf32> to vector<157x10xf32>
    %convert_element_type3A_67 = arith.truncf %slice3A_66 : vector<157x10xf32> to vector<157x10xbf16>
    %convert_element_type3A_68 = arith.truncf %get3A_10 : vector<10x512xf32> to vector<10x512xbf16>
    %dot_general3A_69 = arith.constant dense<0.000000e+00> : vector<157x512xf32>
    %dot_general3A_70 = tpu.matmul %convert_element_type3A_67, %convert_element_type3A_68, %dot_general3A_69 {dimension_numbers = #tpu.dot_dimension_numbers<[1], [0], [0], [1], [0, 0, 1, 1], [], []>, transpose_lhs_hint = false} : vector<157x10xbf16>, vector<10x512xbf16>, vector<157x512xf32> -> vector<157x512xf32>
    %add3A_71 = vector.broadcast %get3A_7 : vector<1x512xf32> to vector<157x512xf32>
    %add3A_72 = arith.addf %dot_general3A_70, %add3A_71 : vector<157x512xf32>
    %max3A_73 = arith.constant 0.000000e+00 : f32
    %max3A_74 = vector.broadcast %max3A_73 : f32 to vector<157x512xf32>
    %max3A_75 = arith.maximumf %add3A_72, %max3A_74 : vector<157x512xf32>
    %slice3A_76 = vector.extract_strided_slice %get3A_4 {offsets = [0, 35], sizes = [157, 10], strides = [1, 1]} : vector<158x80xf32> to vector<157x10xf32>
    %convert_element_type3A_77 = arith.truncf %slice3A_76 : vector<157x10xf32> to vector<157x10xbf16>
    %convert_element_type3A_78 = arith.truncf %get3A_10 : vector<10x512xf32> to vector<10x512xbf16>
    %dot_general3A_79 = arith.constant dense<0.000000e+00> : vector<157x512xf32>
    %dot_general3A_80 = tpu.matmul %convert_element_type3A_77, %convert_element_type3A_78, %dot_general3A_79 {dimension_numbers = #tpu.dot_dimension_numbers<[1], [0], [0], [1], [0, 0, 1, 1], [], []>, transpose_lhs_hint = false} : vector<157x10xbf16>, vector<10x512xbf16>, vector<157x512xf32> -> vector<157x512xf32>
    %add3A_81 = vector.broadcast %get3A_7 : vector<1x512xf32> to vector<157x512xf32>
    %add3A_82 = arith.addf %dot_general3A_80, %add3A_81 : vector<157x512xf32>
    %max3A_83 = arith.constant 0.000000e+00 : f32
    %max3A_84 = vector.broadcast %max3A_83 : f32 to vector<157x512xf32>
    %max3A_85 = arith.maximumf %add3A_82, %max3A_84 : vector<157x512xf32>
    %slice3A_86 = vector.extract_strided_slice %get3A_4 {offsets = [0, 40], sizes = [157, 10], strides = [1, 1]} : vector<158x80xf32> to vector<157x10xf32>
    %convert_element_type3A_87 = arith.truncf %slice3A_86 : vector<157x10xf32> to vector<157x10xbf16>
    %convert_element_type3A_88 = arith.truncf %get3A_10 : vector<10x512xf32> to vector<10x512xbf16>
    %dot_general3A_89 = arith.constant dense<0.000000e+00> : vector<157x512xf32>
    %dot_general3A_90 = tpu.matmul %convert_element_type3A_87, %convert_element_type3A_88, %dot_general3A_89 {dimension_numbers = #tpu.dot_dimension_numbers<[1], [0], [0], [1], [0, 0, 1, 1], [], []>, transpose_lhs_hint = false} : vector<157x10xbf16>, vector<10x512xbf16>, vector<157x512xf32> -> vector<157x512xf32>
    %add3A_91 = vector.broadcast %get3A_7 : vector<1x512xf32> to vector<157x512xf32>
    %add3A_92 = arith.addf %dot_general3A_90, %add3A_91 : vector<157x512xf32>
    %max3A_93 = arith.constant 0.000000e+00 : f32
    %max3A_94 = vector.broadcast %max3A_93 : f32 to vector<157x512xf32>
    %max3A_95 = arith.maximumf %add3A_92, %max3A_94 : vector<157x512xf32>
    %slice3A_96 = vector.extract_strided_slice %get3A_4 {offsets = [0, 45], sizes = [157, 10], strides = [1, 1]} : vector<158x80xf32> to vector<157x10xf32>
    %convert_element_type3A_97 = arith.truncf %slice3A_96 : vector<157x10xf32> to vector<157x10xbf16>
    %convert_element_type3A_98 = arith.truncf %get3A_10 : vector<10x512xf32> to vector<10x512xbf16>
    %dot_general3A_99 = arith.constant dense<0.000000e+00> : vector<157x512xf32>
    %dot_general3A_100 = tpu.matmul %convert_element_type3A_97, %convert_element_type3A_98, %dot_general3A_99 {dimension_numbers = #tpu.dot_dimension_numbers<[1], [0], [0], [1], [0, 0, 1, 1], [], []>, transpose_lhs_hint = false} : vector<157x10xbf16>, vector<10x512xbf16>, vector<157x512xf32> -> vector<157x512xf32>
    %add3A_101 = vector.broadcast %get3A_7 : vector<1x512xf32> to vector<157x512xf32>
    %add3A_102 = arith.addf %dot_general3A_100, %add3A_101 : vector<157x512xf32>
    %max3A_103 = arith.constant 0.000000e+00 : f32
    %max3A_104 = vector.broadcast %max3A_103 : f32 to vector<157x512xf32>
    %max3A_105 = arith.maximumf %add3A_102, %max3A_104 : vector<157x512xf32>
    %slice3A_106 = vector.extract_strided_slice %get3A_4 {offsets = [0, 50], sizes = [157, 10], strides = [1, 1]} : vector<158x80xf32> to vector<157x10xf32>
    %convert_element_type3A_107 = arith.truncf %slice3A_106 : vector<157x10xf32> to vector<157x10xbf16>
    %convert_element_type3A_108 = arith.truncf %get3A_10 : vector<10x512xf32> to vector<10x512xbf16>
    %dot_general3A_109 = arith.constant dense<0.000000e+00> : vector<157x512xf32>
    %dot_general3A_110 = tpu.matmul %convert_element_type3A_107, %convert_element_type3A_108, %dot_general3A_109 {dimension_numbers = #tpu.dot_dimension_numbers<[1], [0], [0], [1], [0, 0, 1, 1], [], []>, transpose_lhs_hint = false} : vector<157x10xbf16>, vector<10x512xbf16>, vector<157x512xf32> -> vector<157x512xf32>
    %add3A_111 = vector.broadcast %get3A_7 : vector<1x512xf32> to vector<157x512xf32>
    %add3A_112 = arith.addf %dot_general3A_110, %add3A_111 : vector<157x512xf32>
    %max3A_113 = arith.constant 0.000000e+00 : f32
    %max3A_114 = vector.broadcast %max3A_113 : f32 to vector<157x512xf32>
    %max3A_115 = arith.maximumf %add3A_112, %max3A_114 : vector<157x512xf32>
    %slice3A_116 = vector.extract_strided_slice %get3A_4 {offsets = [0, 55], sizes = [157, 10], strides = [1, 1]} : vector<158x80xf32> to vector<157x10xf32>
    %convert_element_type3A_117 = arith.truncf %slice3A_116 : vector<157x10xf32> to vector<157x10xbf16>
    %convert_element_type3A_118 = arith.truncf %get3A_10 : vector<10x512xf32> to vector<10x512xbf16>
    %dot_general3A_119 = arith.constant dense<0.000000e+00> : vector<157x512xf32>
    %dot_general3A_120 = tpu.matmul %convert_element_type3A_117, %convert_element_type3A_118, %dot_general3A_119 {dimension_numbers = #tpu.dot_dimension_numbers<[1], [0], [0], [1], [0, 0, 1, 1], [], []>, transpose_lhs_hint = false} : vector<157x10xbf16>, vector<10x512xbf16>, vector<157x512xf32> -> vector<157x512xf32>
    %add3A_121 = vector.broadcast %get3A_7 : vector<1x512xf32> to vector<157x512xf32>
    %add3A_122 = arith.addf %dot_general3A_120, %add3A_121 : vector<157x512xf32>
    %max3A_123 = arith.constant 0.000000e+00 : f32
    %max3A_124 = vector.broadcast %max3A_123 : f32 to vector<157x512xf32>
    %max3A_125 = arith.maximumf %add3A_122, %max3A_124 : vector<157x512xf32>
    %slice3A_126 = vector.extract_strided_slice %get3A_4 {offsets = [0, 60], sizes = [157, 10], strides = [1, 1]} : vector<158x80xf32> to vector<157x10xf32>
    %convert_element_type3A_127 = arith.truncf %slice3A_126 : vector<157x10xf32> to vector<157x10xbf16>
    %convert_element_type3A_128 = arith.truncf %get3A_10 : vector<10x512xf32> to vector<10x512xbf16>
    %dot_general3A_129 = arith.constant dense<0.000000e+00> : vector<157x512xf32>
    %dot_general3A_130 = tpu.matmul %convert_element_type3A_127, %convert_element_type3A_128, %dot_general3A_129 {dimension_numbers = #tpu.dot_dimension_numbers<[1], [0], [0], [1], [0, 0, 1, 1], [], []>, transpose_lhs_hint = false} : vector<157x10xbf16>, vector<10x512xbf16>, vector<157x512xf32> -> vector<157x512xf32>
    %add3A_131 = vector.broadcast %get3A_7 : vector<1x512xf32> to vector<157x512xf32>
    %add3A_132 = arith.addf %dot_general3A_130, %add3A_131 : vector<157x512xf32>
    %max3A_133 = arith.constant 0.000000e+00 : f32
    %max3A_134 = vector.broadcast %max3A_133 : f32 to vector<157x512xf32>
    %max3A_135 = arith.maximumf %add3A_132, %max3A_134 : vector<157x512xf32>
    %slice3A_136 = vector.extract_strided_slice %get3A_4 {offsets = [0, 65], sizes = [157, 10], strides = [1, 1]} : vector<158x80xf32> to vector<157x10xf32>
    %convert_element_type3A_137 = arith.truncf %slice3A_136 : vector<157x10xf32> to vector<157x10xbf16>
    %convert_element_type3A_138 = arith.truncf %get3A_10 : vector<10x512xf32> to vector<10x512xbf16>
    %dot_general3A_139 = arith.constant dense<0.000000e+00> : vector<157x512xf32>
    %dot_general3A_140 = tpu.matmul %convert_element_type3A_137, %convert_element_type3A_138, %dot_general3A_139 {dimension_numbers = #tpu.dot_dimension_numbers<[1], [0], [0], [1], [0, 0, 1, 1], [], []>, transpose_lhs_hint = false} : vector<157x10xbf16>, vector<10x512xbf16>, vector<157x512xf32> -> vector<157x512xf32>
    %add3A_141 = vector.broadcast %get3A_7 : vector<1x512xf32> to vector<157x512xf32>
    %add3A_142 = arith.addf %dot_general3A_140, %add3A_141 : vector<157x512xf32>
    %max3A_143 = arith.constant 0.000000e+00 : f32
    %max3A_144 = vector.broadcast %max3A_143 : f32 to vector<157x512xf32>
    %max3A_145 = arith.maximumf %add3A_142, %max3A_144 : vector<157x512xf32>
    %slice3A_146 = vector.extract_strided_slice %get3A_4 {offsets = [0, 70], sizes = [157, 10], strides = [1, 1]} : vector<158x80xf32> to vector<157x10xf32>
    %convert_element_type3A_147 = arith.truncf %slice3A_146 : vector<157x10xf32> to vector<157x10xbf16>
    %convert_element_type3A_148 = arith.truncf %get3A_10 : vector<10x512xf32> to vector<10x512xbf16>
    %dot_general3A_149 = arith.constant dense<0.000000e+00> : vector<157x512xf32>
    %dot_general3A_150 = tpu.matmul %convert_element_type3A_147, %convert_element_type3A_148, %dot_general3A_149 {dimension_numbers = #tpu.dot_dimension_numbers<[1], [0], [0], [1], [0, 0, 1, 1], [], []>, transpose_lhs_hint = false} : vector<157x10xbf16>, vector<10x512xbf16>, vector<157x512xf32> -> vector<157x512xf32>
    %add3A_151 = vector.broadcast %get3A_7 : vector<1x512xf32> to vector<157x512xf32>
    %add3A_152 = arith.addf %dot_general3A_150, %add3A_151 : vector<157x512xf32>
    %max3A_153 = arith.constant 0.000000e+00 : f32
    %max3A_154 = vector.broadcast %max3A_153 : f32 to vector<157x512xf32>
    %max3A_155 = arith.maximumf %add3A_152, %max3A_154 : vector<157x512xf32>
    %slice3A_156 = vector.extract_strided_slice %get3A_4 {offsets = [0, 75], sizes = [157, 5], strides = [1, 1]} : vector<158x80xf32> to vector<157x5xf32>
    %slice3A_157 = vector.extract_strided_slice %get3A_4 {offsets = [1, 0], sizes = [157, 5], strides = [1, 1]} : vector<158x80xf32> to vector<157x5xf32>
    %concatenate3A = tpu.concatenate %slice3A_156, %slice3A_157 in 1 : vector<157x5xf32>, vector<157x5xf32> -> vector<157x10xf32>
    %convert_element_type3A_158 = arith.truncf %concatenate3A : vector<157x10xf32> to vector<157x10xbf16>
    %convert_element_type3A_159 = arith.truncf %get3A_10 : vector<10x512xf32> to vector<10x512xbf16>
    %dot_general3A_160 = arith.constant dense<0.000000e+00> : vector<157x512xf32>
    %dot_general3A_161 = tpu.matmul %convert_element_type3A_158, %convert_element_type3A_159, %dot_general3A_160 {dimension_numbers = #tpu.dot_dimension_numbers<[1], [0], [0], [1], [0, 0, 1, 1], [], []>, transpose_lhs_hint = false} : vector<157x10xbf16>, vector<10x512xbf16>, vector<157x512xf32> -> vector<157x512xf32>
    %add3A_162 = vector.broadcast %get3A_7 : vector<1x512xf32> to vector<157x512xf32>
    %add3A_163 = arith.addf %dot_general3A_161, %add3A_162 : vector<157x512xf32>
    %max3A_164 = arith.constant 0.000000e+00 : f32
    %max3A_165 = vector.broadcast %max3A_164 : f32 to vector<157x512xf32>
    %max3A_166 = arith.maximumf %add3A_163, %max3A_165 : vector<157x512xf32>
    %get3A_167 = arith.constant 0 : index
    %get3A_168 = arith.constant 0 : index
    %get3A_169 = arith.constant 0 : index
    %get3A_170 = vector.load %arg5[%get3A_167, %get3A_168, %get3A_169] : memref<8x512x512xf32, #tpu.memory_space<vmem>>, vector<8x512x512xf32>
    %get3A_171 = arith.constant 0 : index
    %get3A_172 = arith.constant 0 : index
    %get3A_173 = vector.load %arg6[%get3A_171, %get3A_172] : memref<1x512xf32, #tpu.memory_space<vmem>>, vector<1x512xf32>
    %slice3A_174 = vector.extract_strided_slice %max3A_15 {offsets = [0, 0], sizes = [156, 512], strides = [1, 1]} : vector<157x512xf32> to vector<156x512xf32>
    %slice3A_175 = vector.extract_strided_slice %get3A_170 {offsets = [0, 0, 0], sizes = [1, 512, 512], strides = [1, 1, 1]} : vector<8x512x512xf32> to vector<1x512x512xf32>
    %squeeze3A = vector.shape_cast %slice3A_175 : vector<1x512x512xf32> to vector<512x512xf32>
    %convert_element_type3A_176 = arith.truncf %slice3A_174 : vector<156x512xf32> to vector<156x512xbf16>
    %convert_element_type3A_177 = arith.truncf %squeeze3A : vector<512x512xf32> to vector<512x512xbf16>
    %dot_general3A_178 = arith.constant dense<0.000000e+00> : vector<156x512xf32>
    %dot_general3A_179 = tpu.matmul %convert_element_type3A_176, %convert_element_type3A_177, %dot_general3A_178 {dimension_numbers = #tpu.dot_dimension_numbers<[1], [0], [0], [1], [0, 0, 1, 1], [], []>, transpose_lhs_hint = false} : vector<156x512xbf16>, vector<512x512xbf16>, vector<156x512xf32> -> vector<156x512xf32>
    %slice3A_180 = vector.extract_strided_slice %max3A_25 {offsets = [0, 0], sizes = [156, 512], strides = [1, 1]} : vector<157x512xf32> to vector<156x512xf32>
    %slice3A_181 = vector.extract_strided_slice %get3A_170 {offsets = [1, 0, 0], sizes = [1, 512, 512], strides = [1, 1, 1]} : vector<8x512x512xf32> to vector<1x512x512xf32>
    %squeeze3A_182 = vector.shape_cast %slice3A_181 : vector<1x512x512xf32> to vector<512x512xf32>
    %convert_element_type3A_183 = arith.truncf %slice3A_180 : vector<156x512xf32> to vector<156x512xbf16>
    %convert_element_type3A_184 = arith.truncf %squeeze3A_182 : vector<512x512xf32> to vector<512x512xbf16>
    %dot_general3A_185 = arith.constant dense<0.000000e+00> : vector<156x512xf32>
    %dot_general3A_186 = tpu.matmul %convert_element_type3A_183, %convert_element_type3A_184, %dot_general3A_185 {dimension_numbers = #tpu.dot_dimension_numbers<[1], [0], [0], [1], [0, 0, 1, 1], [], []>, transpose_lhs_hint = false} : vector<156x512xbf16>, vector<512x512xbf16>, vector<156x512xf32> -> vector<156x512xf32>
    %add3A_187 = arith.addf %dot_general3A_179, %dot_general3A_186 : vector<156x512xf32>
    %slice3A_188 = vector.extract_strided_slice %max3A_35 {offsets = [0, 0], sizes = [156, 512], strides = [1, 1]} : vector<157x512xf32> to vector<156x512xf32>
    %slice3A_189 = vector.extract_strided_slice %get3A_170 {offsets = [2, 0, 0], sizes = [1, 512, 512], strides = [1, 1, 1]} : vector<8x512x512xf32> to vector<1x512x512xf32>
    %squeeze3A_190 = vector.shape_cast %slice3A_189 : vector<1x512x512xf32> to vector<512x512xf32>
    %convert_element_type3A_191 = arith.truncf %slice3A_188 : vector<156x512xf32> to vector<156x512xbf16>
    %convert_element_type3A_192 = arith.truncf %squeeze3A_190 : vector<512x512xf32> to vector<512x512xbf16>
    %dot_general3A_193 = arith.constant dense<0.000000e+00> : vector<156x512xf32>
    %dot_general3A_194 = tpu.matmul %convert_element_type3A_191, %convert_element_type3A_192, %dot_general3A_193 {dimension_numbers = #tpu.dot_dimension_numbers<[1], [0], [0], [1], [0, 0, 1, 1], [], []>, transpose_lhs_hint = false} : vector<156x512xbf16>, vector<512x512xbf16>, vector<156x512xf32> -> vector<156x512xf32>
    %add3A_195 = arith.addf %add3A_187, %dot_general3A_194 : vector<156x512xf32>
    %slice3A_196 = vector.extract_strided_slice %max3A_45 {offsets = [0, 0], sizes = [156, 512], strides = [1, 1]} : vector<157x512xf32> to vector<156x512xf32>
    %slice3A_197 = vector.extract_strided_slice %get3A_170 {offsets = [3, 0, 0], sizes = [1, 512, 512], strides = [1, 1, 1]} : vector<8x512x512xf32> to vector<1x512x512xf32>
    %squeeze3A_198 = vector.shape_cast %slice3A_197 : vector<1x512x512xf32> to vector<512x512xf32>
    %convert_element_type3A_199 = arith.truncf %slice3A_196 : vector<156x512xf32> to vector<156x512xbf16>
    %convert_element_type3A_200 = arith.truncf %squeeze3A_198 : vector<512x512xf32> to vector<512x512xbf16>
    %dot_general3A_201 = arith.constant dense<0.000000e+00> : vector<156x512xf32>
    %dot_general3A_202 = tpu.matmul %convert_element_type3A_199, %convert_element_type3A_200, %dot_general3A_201 {dimension_numbers = #tpu.dot_dimension_numbers<[1], [0], [0], [1], [0, 0, 1, 1], [], []>, transpose_lhs_hint = false} : vector<156x512xbf16>, vector<512x512xbf16>, vector<156x512xf32> -> vector<156x512xf32>
    %add3A_203 = arith.addf %add3A_195, %dot_general3A_202 : vector<156x512xf32>
    %slice3A_204 = vector.extract_strided_slice %max3A_55 {offsets = [0, 0], sizes = [156, 512], strides = [1, 1]} : vector<157x512xf32> to vector<156x512xf32>
    %slice3A_205 = vector.extract_strided_slice %get3A_170 {offsets = [4, 0, 0], sizes = [1, 512, 512], strides = [1, 1, 1]} : vector<8x512x512xf32> to vector<1x512x512xf32>
    %squeeze3A_206 = vector.shape_cast %slice3A_205 : vector<1x512x512xf32> to vector<512x512xf32>
    %convert_element_type3A_207 = arith.truncf %slice3A_204 : vector<156x512xf32> to vector<156x512xbf16>
    %convert_element_type3A_208 = arith.truncf %squeeze3A_206 : vector<512x512xf32> to vector<512x512xbf16>
    %dot_general3A_209 = arith.constant dense<0.000000e+00> : vector<156x512xf32>
    %dot_general3A_210 = tpu.matmul %convert_element_type3A_207, %convert_element_type3A_208, %dot_general3A_209 {dimension_numbers = #tpu.dot_dimension_numbers<[1], [0], [0], [1], [0, 0, 1, 1], [], []>, transpose_lhs_hint = false} : vector<156x512xbf16>, vector<512x512xbf16>, vector<156x512xf32> -> vector<156x512xf32>
    %add3A_211 = arith.addf %add3A_203, %dot_general3A_210 : vector<156x512xf32>
    %slice3A_212 = vector.extract_strided_slice %max3A_65 {offsets = [0, 0], sizes = [156, 512], strides = [1, 1]} : vector<157x512xf32> to vector<156x512xf32>
    %slice3A_213 = vector.extract_strided_slice %get3A_170 {offsets = [5, 0, 0], sizes = [1, 512, 512], strides = [1, 1, 1]} : vector<8x512x512xf32> to vector<1x512x512xf32>
    %squeeze3A_214 = vector.shape_cast %slice3A_213 : vector<1x512x512xf32> to vector<512x512xf32>
    %convert_element_type3A_215 = arith.truncf %slice3A_212 : vector<156x512xf32> to vector<156x512xbf16>
    %convert_element_type3A_216 = arith.truncf %squeeze3A_214 : vector<512x512xf32> to vector<512x512xbf16>
    %dot_general3A_217 = arith.constant dense<0.000000e+00> : vector<156x512xf32>
    %dot_general3A_218 = tpu.matmul %convert_element_type3A_215, %convert_element_type3A_216, %dot_general3A_217 {dimension_numbers = #tpu.dot_dimension_numbers<[1], [0], [0], [1], [0, 0, 1, 1], [], []>, transpose_lhs_hint = false} : vector<156x512xbf16>, vector<512x512xbf16>, vector<156x512xf32> -> vector<156x512xf32>
    %add3A_219 = arith.addf %add3A_211, %dot_general3A_218 : vector<156x512xf32>
    %slice3A_220 = vector.extract_strided_slice %max3A_75 {offsets = [0, 0], sizes = [156, 512], strides = [1, 1]} : vector<157x512xf32> to vector<156x512xf32>
    %slice3A_221 = vector.extract_strided_slice %get3A_170 {offsets = [6, 0, 0], sizes = [1, 512, 512], strides = [1, 1, 1]} : vector<8x512x512xf32> to vector<1x512x512xf32>
    %squeeze3A_222 = vector.shape_cast %slice3A_221 : vector<1x512x512xf32> to vector<512x512xf32>
    %convert_element_type3A_223 = arith.truncf %slice3A_220 : vector<156x512xf32> to vector<156x512xbf16>
    %convert_element_type3A_224 = arith.truncf %squeeze3A_222 : vector<512x512xf32> to vector<512x512xbf16>
    %dot_general3A_225 = arith.constant dense<0.000000e+00> : vector<156x512xf32>
    %dot_general3A_226 = tpu.matmul %convert_element_type3A_223, %convert_element_type3A_224, %dot_general3A_225 {dimension_numbers = #tpu.dot_dimension_numbers<[1], [0], [0], [1], [0, 0, 1, 1], [], []>, transpose_lhs_hint = false} : vector<156x512xbf16>, vector<512x512xbf16>, vector<156x512xf32> -> vector<156x512xf32>
    %add3A_227 = arith.addf %add3A_219, %dot_general3A_226 : vector<156x512xf32>
    %slice3A_228 = vector.extract_strided_slice %max3A_85 {offsets = [0, 0], sizes = [156, 512], strides = [1, 1]} : vector<157x512xf32> to vector<156x512xf32>
    %slice3A_229 = vector.extract_strided_slice %get3A_170 {offsets = [7, 0, 0], sizes = [1, 512, 512], strides = [1, 1, 1]} : vector<8x512x512xf32> to vector<1x512x512xf32>
    %squeeze3A_230 = vector.shape_cast %slice3A_229 : vector<1x512x512xf32> to vector<512x512xf32>
    %convert_element_type3A_231 = arith.truncf %slice3A_228 : vector<156x512xf32> to vector<156x512xbf16>
    %convert_element_type3A_232 = arith.truncf %squeeze3A_230 : vector<512x512xf32> to vector<512x512xbf16>
    %dot_general3A_233 = arith.constant dense<0.000000e+00> : vector<156x512xf32>
    %dot_general3A_234 = tpu.matmul %convert_element_type3A_231, %convert_element_type3A_232, %dot_general3A_233 {dimension_numbers = #tpu.dot_dimension_numbers<[1], [0], [0], [1], [0, 0, 1, 1], [], []>, transpose_lhs_hint = false} : vector<156x512xbf16>, vector<512x512xbf16>, vector<156x512xf32> -> vector<156x512xf32>
    %add3A_235 = arith.addf %add3A_227, %dot_general3A_234 : vector<156x512xf32>
    %add3A_236 = vector.broadcast %get3A_173 : vector<1x512xf32> to vector<156x512xf32>
    %add3A_237 = arith.addf %add3A_235, %add3A_236 : vector<156x512xf32>
    %max3A_238 = arith.constant 0.000000e+00 : f32
    %max3A_239 = vector.broadcast %max3A_238 : f32 to vector<156x512xf32>
    %max3A_240 = arith.maximumf %add3A_237, %max3A_239 : vector<156x512xf32>
    %slice3A_241 = vector.extract_strided_slice %max3A_35 {offsets = [0, 0], sizes = [156, 512], strides = [1, 1]} : vector<157x512xf32> to vector<156x512xf32>
    %slice3A_242 = vector.extract_strided_slice %get3A_170 {offsets = [0, 0, 0], sizes = [1, 512, 512], strides = [1, 1, 1]} : vector<8x512x512xf32> to vector<1x512x512xf32>
    %squeeze3A_243 = vector.shape_cast %slice3A_242 : vector<1x512x512xf32> to vector<512x512xf32>
    %convert_element_type3A_244 = arith.truncf %slice3A_241 : vector<156x512xf32> to vector<156x512xbf16>
    %convert_element_type3A_245 = arith.truncf %squeeze3A_243 : vector<512x512xf32> to vector<512x512xbf16>
    %dot_general3A_246 = arith.constant dense<0.000000e+00> : vector<156x512xf32>
    %dot_general3A_247 = tpu.matmul %convert_element_type3A_244, %convert_element_type3A_245, %dot_general3A_246 {dimension_numbers = #tpu.dot_dimension_numbers<[1], [0], [0], [1], [0, 0, 1, 1], [], []>, transpose_lhs_hint = false} : vector<156x512xbf16>, vector<512x512xbf16>, vector<156x512xf32> -> vector<156x512xf32>
    %slice3A_248 = vector.extract_strided_slice %max3A_45 {offsets = [0, 0], sizes = [156, 512], strides = [1, 1]} : vector<157x512xf32> to vector<156x512xf32>
    %slice3A_249 = vector.extract_strided_slice %get3A_170 {offsets = [1, 0, 0], sizes = [1, 512, 512], strides = [1, 1, 1]} : vector<8x512x512xf32> to vector<1x512x512xf32>
    %squeeze3A_250 = vector.shape_cast %slice3A_249 : vector<1x512x512xf32> to vector<512x512xf32>
    %convert_element_type3A_251 = arith.truncf %slice3A_248 : vector<156x512xf32> to vector<156x512xbf16>
    %convert_element_type3A_252 = arith.truncf %squeeze3A_250 : vector<512x512xf32> to vector<512x512xbf16>
    %dot_general3A_253 = arith.constant dense<0.000000e+00> : vector<156x512xf32>
    %dot_general3A_254 = tpu.matmul %convert_element_type3A_251, %convert_element_type3A_252, %dot_general3A_253 {dimension_numbers = #tpu.dot_dimension_numbers<[1], [0], [0], [1], [0, 0, 1, 1], [], []>, transpose_lhs_hint = false} : vector<156x512xbf16>, vector<512x512xbf16>, vector<156x512xf32> -> vector<156x512xf32>
    %add3A_255 = arith.addf %dot_general3A_247, %dot_general3A_254 : vector<156x512xf32>
    %slice3A_256 = vector.extract_strided_slice %max3A_55 {offsets = [0, 0], sizes = [156, 512], strides = [1, 1]} : vector<157x512xf32> to vector<156x512xf32>
    %slice3A_257 = vector.extract_strided_slice %get3A_170 {offsets = [2, 0, 0], sizes = [1, 512, 512], strides = [1, 1, 1]} : vector<8x512x512xf32> to vector<1x512x512xf32>
    %squeeze3A_258 = vector.shape_cast %slice3A_257 : vector<1x512x512xf32> to vector<512x512xf32>
    %convert_element_type3A_259 = arith.truncf %slice3A_256 : vector<156x512xf32> to vector<156x512xbf16>
    %convert_element_type3A_260 = arith.truncf %squeeze3A_258 : vector<512x512xf32> to vector<512x512xbf16>
    %dot_general3A_261 = arith.constant dense<0.000000e+00> : vector<156x512xf32>
    %dot_general3A_262 = tpu.matmul %convert_element_type3A_259, %convert_element_type3A_260, %dot_general3A_261 {dimension_numbers = #tpu.dot_dimension_numbers<[1], [0], [0], [1], [0, 0, 1, 1], [], []>, transpose_lhs_hint = false} : vector<156x512xbf16>, vector<512x512xbf16>, vector<156x512xf32> -> vector<156x512xf32>
    %add3A_263 = arith.addf %add3A_255, %dot_general3A_262 : vector<156x512xf32>
    %slice3A_264 = vector.extract_strided_slice %max3A_65 {offsets = [0, 0], sizes = [156, 512], strides = [1, 1]} : vector<157x512xf32> to vector<156x512xf32>
    %slice3A_265 = vector.extract_strided_slice %get3A_170 {offsets = [3, 0, 0], sizes = [1, 512, 512], strides = [1, 1, 1]} : vector<8x512x512xf32> to vector<1x512x512xf32>
    %squeeze3A_266 = vector.shape_cast %slice3A_265 : vector<1x512x512xf32> to vector<512x512xf32>
    %convert_element_type3A_267 = arith.truncf %slice3A_264 : vector<156x512xf32> to vector<156x512xbf16>
    %convert_element_type3A_268 = arith.truncf %squeeze3A_266 : vector<512x512xf32> to vector<512x512xbf16>
    %dot_general3A_269 = arith.constant dense<0.000000e+00> : vector<156x512xf32>
    %dot_general3A_270 = tpu.matmul %convert_element_type3A_267, %convert_element_type3A_268, %dot_general3A_269 {dimension_numbers = #tpu.dot_dimension_numbers<[1], [0], [0], [1], [0, 0, 1, 1], [], []>, transpose_lhs_hint = false} : vector<156x512xbf16>, vector<512x512xbf16>, vector<156x512xf32> -> vector<156x512xf32>
    %add3A_271 = arith.addf %add3A_263, %dot_general3A_270 : vector<156x512xf32>
    %slice3A_272 = vector.extract_strided_slice %max3A_75 {offsets = [0, 0], sizes = [156, 512], strides = [1, 1]} : vector<157x512xf32> to vector<156x512xf32>
    %slice3A_273 = vector.extract_strided_slice %get3A_170 {offsets = [4, 0, 0], sizes = [1, 512, 512], strides = [1, 1, 1]} : vector<8x512x512xf32> to vector<1x512x512xf32>
    %squeeze3A_274 = vector.shape_cast %slice3A_273 : vector<1x512x512xf32> to vector<512x512xf32>
    %convert_element_type3A_275 = arith.truncf %slice3A_272 : vector<156x512xf32> to vector<156x512xbf16>
    %convert_element_type3A_276 = arith.truncf %squeeze3A_274 : vector<512x512xf32> to vector<512x512xbf16>
    %dot_general3A_277 = arith.constant dense<0.000000e+00> : vector<156x512xf32>
    %dot_general3A_278 = tpu.matmul %convert_element_type3A_275, %convert_element_type3A_276, %dot_general3A_277 {dimension_numbers = #tpu.dot_dimension_numbers<[1], [0], [0], [1], [0, 0, 1, 1], [], []>, transpose_lhs_hint = false} : vector<156x512xbf16>, vector<512x512xbf16>, vector<156x512xf32> -> vector<156x512xf32>
    %add3A_279 = arith.addf %add3A_271, %dot_general3A_278 : vector<156x512xf32>
    %slice3A_280 = vector.extract_strided_slice %max3A_85 {offsets = [0, 0], sizes = [156, 512], strides = [1, 1]} : vector<157x512xf32> to vector<156x512xf32>
    %slice3A_281 = vector.extract_strided_slice %get3A_170 {offsets = [5, 0, 0], sizes = [1, 512, 512], strides = [1, 1, 1]} : vector<8x512x512xf32> to vector<1x512x512xf32>
    %squeeze3A_282 = vector.shape_cast %slice3A_281 : vector<1x512x512xf32> to vector<512x512xf32>
    %convert_element_type3A_283 = arith.truncf %slice3A_280 : vector<156x512xf32> to vector<156x512xbf16>
    %convert_element_type3A_284 = arith.truncf %squeeze3A_282 : vector<512x512xf32> to vector<512x512xbf16>
    %dot_general3A_285 = arith.constant dense<0.000000e+00> : vector<156x512xf32>
    %dot_general3A_286 = tpu.matmul %convert_element_type3A_283, %convert_element_type3A_284, %dot_general3A_285 {dimension_numbers = #tpu.dot_dimension_numbers<[1], [0], [0], [1], [0, 0, 1, 1], [], []>, transpose_lhs_hint = false} : vector<156x512xbf16>, vector<512x512xbf16>, vector<156x512xf32> -> vector<156x512xf32>
    %add3A_287 = arith.addf %add3A_279, %dot_general3A_286 : vector<156x512xf32>
    %slice3A_288 = vector.extract_strided_slice %max3A_95 {offsets = [0, 0], sizes = [156, 512], strides = [1, 1]} : vector<157x512xf32> to vector<156x512xf32>
    %slice3A_289 = vector.extract_strided_slice %get3A_170 {offsets = [6, 0, 0], sizes = [1, 512, 512], strides = [1, 1, 1]} : vector<8x512x512xf32> to vector<1x512x512xf32>
    %squeeze3A_290 = vector.shape_cast %slice3A_289 : vector<1x512x512xf32> to vector<512x512xf32>
    %convert_element_type3A_291 = arith.truncf %slice3A_288 : vector<156x512xf32> to vector<156x512xbf16>
    %convert_element_type3A_292 = arith.truncf %squeeze3A_290 : vector<512x512xf32> to vector<512x512xbf16>
    %dot_general3A_293 = arith.constant dense<0.000000e+00> : vector<156x512xf32>
    %dot_general3A_294 = tpu.matmul %convert_element_type3A_291, %convert_element_type3A_292, %dot_general3A_293 {dimension_numbers = #tpu.dot_dimension_numbers<[1], [0], [0], [1], [0, 0, 1, 1], [], []>, transpose_lhs_hint = false} : vector<156x512xbf16>, vector<512x512xbf16>, vector<156x512xf32> -> vector<156x512xf32>
    %add3A_295 = arith.addf %add3A_287, %dot_general3A_294 : vector<156x512xf32>
    %slice3A_296 = vector.extract_strided_slice %max3A_105 {offsets = [0, 0], sizes = [156, 512], strides = [1, 1]} : vector<157x512xf32> to vector<156x512xf32>
    %slice3A_297 = vector.extract_strided_slice %get3A_170 {offsets = [7, 0, 0], sizes = [1, 512, 512], strides = [1, 1, 1]} : vector<8x512x512xf32> to vector<1x512x512xf32>
    %squeeze3A_298 = vector.shape_cast %slice3A_297 : vector<1x512x512xf32> to vector<512x512xf32>
    %convert_element_type3A_299 = arith.truncf %slice3A_296 : vector<156x512xf32> to vector<156x512xbf16>
    %convert_element_type3A_300 = arith.truncf %squeeze3A_298 : vector<512x512xf32> to vector<512x512xbf16>
    %dot_general3A_301 = arith.constant dense<0.000000e+00> : vector<156x512xf32>
    %dot_general3A_302 = tpu.matmul %convert_element_type3A_299, %convert_element_type3A_300, %dot_general3A_301 {dimension_numbers = #tpu.dot_dimension_numbers<[1], [0], [0], [1], [0, 0, 1, 1], [], []>, transpose_lhs_hint = false} : vector<156x512xbf16>, vector<512x512xbf16>, vector<156x512xf32> -> vector<156x512xf32>
    %add3A_303 = arith.addf %add3A_295, %dot_general3A_302 : vector<156x512xf32>
    %add3A_304 = vector.broadcast %get3A_173 : vector<1x512xf32> to vector<156x512xf32>
    %add3A_305 = arith.addf %add3A_303, %add3A_304 : vector<156x512xf32>
    %max3A_306 = arith.constant 0.000000e+00 : f32
    %max3A_307 = vector.broadcast %max3A_306 : f32 to vector<156x512xf32>
    %max3A_308 = arith.maximumf %add3A_305, %max3A_307 : vector<156x512xf32>
    %slice3A_309 = vector.extract_strided_slice %max3A_55 {offsets = [0, 0], sizes = [156, 512], strides = [1, 1]} : vector<157x512xf32> to vector<156x512xf32>
    %slice3A_310 = vector.extract_strided_slice %get3A_170 {offsets = [0, 0, 0], sizes = [1, 512, 512], strides = [1, 1, 1]} : vector<8x512x512xf32> to vector<1x512x512xf32>
    %squeeze3A_311 = vector.shape_cast %slice3A_310 : vector<1x512x512xf32> to vector<512x512xf32>
    %convert_element_type3A_312 = arith.truncf %slice3A_309 : vector<156x512xf32> to vector<156x512xbf16>
    %convert_element_type3A_313 = arith.truncf %squeeze3A_311 : vector<512x512xf32> to vector<512x512xbf16>
    %dot_general3A_314 = arith.constant dense<0.000000e+00> : vector<156x512xf32>
    %dot_general3A_315 = tpu.matmul %convert_element_type3A_312, %convert_element_type3A_313, %dot_general3A_314 {dimension_numbers = #tpu.dot_dimension_numbers<[1], [0], [0], [1], [0, 0, 1, 1], [], []>, transpose_lhs_hint = false} : vector<156x512xbf16>, vector<512x512xbf16>, vector<156x512xf32> -> vector<156x512xf32>
    %slice3A_316 = vector.extract_strided_slice %max3A_65 {offsets = [0, 0], sizes = [156, 512], strides = [1, 1]} : vector<157x512xf32> to vector<156x512xf32>
    %slice3A_317 = vector.extract_strided_slice %get3A_170 {offsets = [1, 0, 0], sizes = [1, 512, 512], strides = [1, 1, 1]} : vector<8x512x512xf32> to vector<1x512x512xf32>
    %squeeze3A_318 = vector.shape_cast %slice3A_317 : vector<1x512x512xf32> to vector<512x512xf32>
    %convert_element_type3A_319 = arith.truncf %slice3A_316 : vector<156x512xf32> to vector<156x512xbf16>
    %convert_element_type3A_320 = arith.truncf %squeeze3A_318 : vector<512x512xf32> to vector<512x512xbf16>
    %dot_general3A_321 = arith.constant dense<0.000000e+00> : vector<156x512xf32>
    %dot_general3A_322 = tpu.matmul %convert_element_type3A_319, %convert_element_type3A_320, %dot_general3A_321 {dimension_numbers = #tpu.dot_dimension_numbers<[1], [0], [0], [1], [0, 0, 1, 1], [], []>, transpose_lhs_hint = false} : vector<156x512xbf16>, vector<512x512xbf16>, vector<156x512xf32> -> vector<156x512xf32>
    %add3A_323 = arith.addf %dot_general3A_315, %dot_general3A_322 : vector<156x512xf32>
    %slice3A_324 = vector.extract_strided_slice %max3A_75 {offsets = [0, 0], sizes = [156, 512], strides = [1, 1]} : vector<157x512xf32> to vector<156x512xf32>
    %slice3A_325 = vector.extract_strided_slice %get3A_170 {offsets = [2, 0, 0], sizes = [1, 512, 512], strides = [1, 1, 1]} : vector<8x512x512xf32> to vector<1x512x512xf32>
    %squeeze3A_326 = vector.shape_cast %slice3A_325 : vector<1x512x512xf32> to vector<512x512xf32>
    %convert_element_type3A_327 = arith.truncf %slice3A_324 : vector<156x512xf32> to vector<156x512xbf16>
    %convert_element_type3A_328 = arith.truncf %squeeze3A_326 : vector<512x512xf32> to vector<512x512xbf16>
    %dot_general3A_329 = arith.constant dense<0.000000e+00> : vector<156x512xf32>
    %dot_general3A_330 = tpu.matmul %convert_element_type3A_327, %convert_element_type3A_328, %dot_general3A_329 {dimension_numbers = #tpu.dot_dimension_numbers<[1], [0], [0], [1], [0, 0, 1, 1], [], []>, transpose_lhs_hint = false} : vector<156x512xbf16>, vector<512x512xbf16>, vector<156x512xf32> -> vector<156x512xf32>
    %add3A_331 = arith.addf %add3A_323, %dot_general3A_330 : vector<156x512xf32>
    %slice3A_332 = vector.extract_strided_slice %max3A_85 {offsets = [0, 0], sizes = [156, 512], strides = [1, 1]} : vector<157x512xf32> to vector<156x512xf32>
    %slice3A_333 = vector.extract_strided_slice %get3A_170 {offsets = [3, 0, 0], sizes = [1, 512, 512], strides = [1, 1, 1]} : vector<8x512x512xf32> to vector<1x512x512xf32>
    %squeeze3A_334 = vector.shape_cast %slice3A_333 : vector<1x512x512xf32> to vector<512x512xf32>
    %convert_element_type3A_335 = arith.truncf %slice3A_332 : vector<156x512xf32> to vector<156x512xbf16>
    %convert_element_type3A_336 = arith.truncf %squeeze3A_334 : vector<512x512xf32> to vector<512x512xbf16>
    %dot_general3A_337 = arith.constant dense<0.000000e+00> : vector<156x512xf32>
    %dot_general3A_338 = tpu.matmul %convert_element_type3A_335, %convert_element_type3A_336, %dot_general3A_337 {dimension_numbers = #tpu.dot_dimension_numbers<[1], [0], [0], [1], [0, 0, 1, 1], [], []>, transpose_lhs_hint = false} : vector<156x512xbf16>, vector<512x512xbf16>, vector<156x512xf32> -> vector<156x512xf32>
    %add3A_339 = arith.addf %add3A_331, %dot_general3A_338 : vector<156x512xf32>
    %slice3A_340 = vector.extract_strided_slice %max3A_95 {offsets = [0, 0], sizes = [156, 512], strides = [1, 1]} : vector<157x512xf32> to vector<156x512xf32>
    %slice3A_341 = vector.extract_strided_slice %get3A_170 {offsets = [4, 0, 0], sizes = [1, 512, 512], strides = [1, 1, 1]} : vector<8x512x512xf32> to vector<1x512x512xf32>
    %squeeze3A_342 = vector.shape_cast %slice3A_341 : vector<1x512x512xf32> to vector<512x512xf32>
    %convert_element_type3A_343 = arith.truncf %slice3A_340 : vector<156x512xf32> to vector<156x512xbf16>
    %convert_element_type3A_344 = arith.truncf %squeeze3A_342 : vector<512x512xf32> to vector<512x512xbf16>
    %dot_general3A_345 = arith.constant dense<0.000000e+00> : vector<156x512xf32>
    %dot_general3A_346 = tpu.matmul %convert_element_type3A_343, %convert_element_type3A_344, %dot_general3A_345 {dimension_numbers = #tpu.dot_dimension_numbers<[1], [0], [0], [1], [0, 0, 1, 1], [], []>, transpose_lhs_hint = false} : vector<156x512xbf16>, vector<512x512xbf16>, vector<156x512xf32> -> vector<156x512xf32>
    %add3A_347 = arith.addf %add3A_339, %dot_general3A_346 : vector<156x512xf32>
    %slice3A_348 = vector.extract_strided_slice %max3A_105 {offsets = [0, 0], sizes = [156, 512], strides = [1, 1]} : vector<157x512xf32> to vector<156x512xf32>
    %slice3A_349 = vector.extract_strided_slice %get3A_170 {offsets = [5, 0, 0], sizes = [1, 512, 512], strides = [1, 1, 1]} : vector<8x512x512xf32> to vector<1x512x512xf32>
    %squeeze3A_350 = vector.shape_cast %slice3A_349 : vector<1x512x512xf32> to vector<512x512xf32>
    %convert_element_type3A_351 = arith.truncf %slice3A_348 : vector<156x512xf32> to vector<156x512xbf16>
    %convert_element_type3A_352 = arith.truncf %squeeze3A_350 : vector<512x512xf32> to vector<512x512xbf16>
    %dot_general3A_353 = arith.constant dense<0.000000e+00> : vector<156x512xf32>
    %dot_general3A_354 = tpu.matmul %convert_element_type3A_351, %convert_element_type3A_352, %dot_general3A_353 {dimension_numbers = #tpu.dot_dimension_numbers<[1], [0], [0], [1], [0, 0, 1, 1], [], []>, transpose_lhs_hint = false} : vector<156x512xbf16>, vector<512x512xbf16>, vector<156x512xf32> -> vector<156x512xf32>
    %add3A_355 = arith.addf %add3A_347, %dot_general3A_354 : vector<156x512xf32>
    %slice3A_356 = vector.extract_strided_slice %max3A_115 {offsets = [0, 0], sizes = [156, 512], strides = [1, 1]} : vector<157x512xf32> to vector<156x512xf32>
    %slice3A_357 = vector.extract_strided_slice %get3A_170 {offsets = [6, 0, 0], sizes = [1, 512, 512], strides = [1, 1, 1]} : vector<8x512x512xf32> to vector<1x512x512xf32>
    %squeeze3A_358 = vector.shape_cast %slice3A_357 : vector<1x512x512xf32> to vector<512x512xf32>
    %convert_element_type3A_359 = arith.truncf %slice3A_356 : vector<156x512xf32> to vector<156x512xbf16>
    %convert_element_type3A_360 = arith.truncf %squeeze3A_358 : vector<512x512xf32> to vector<512x512xbf16>
    %dot_general3A_361 = arith.constant dense<0.000000e+00> : vector<156x512xf32>
    %dot_general3A_362 = tpu.matmul %convert_element_type3A_359, %convert_element_type3A_360, %dot_general3A_361 {dimension_numbers = #tpu.dot_dimension_numbers<[1], [0], [0], [1], [0, 0, 1, 1], [], []>, transpose_lhs_hint = false} : vector<156x512xbf16>, vector<512x512xbf16>, vector<156x512xf32> -> vector<156x512xf32>
    %add3A_363 = arith.addf %add3A_355, %dot_general3A_362 : vector<156x512xf32>
    %slice3A_364 = vector.extract_strided_slice %max3A_125 {offsets = [0, 0], sizes = [156, 512], strides = [1, 1]} : vector<157x512xf32> to vector<156x512xf32>
    %slice3A_365 = vector.extract_strided_slice %get3A_170 {offsets = [7, 0, 0], sizes = [1, 512, 512], strides = [1, 1, 1]} : vector<8x512x512xf32> to vector<1x512x512xf32>
    %squeeze3A_366 = vector.shape_cast %slice3A_365 : vector<1x512x512xf32> to vector<512x512xf32>
    %convert_element_type3A_367 = arith.truncf %slice3A_364 : vector<156x512xf32> to vector<156x512xbf16>
    %convert_element_type3A_368 = arith.truncf %squeeze3A_366 : vector<512x512xf32> to vector<512x512xbf16>
    %dot_general3A_369 = arith.constant dense<0.000000e+00> : vector<156x512xf32>
    %dot_general3A_370 = tpu.matmul %convert_element_type3A_367, %convert_element_type3A_368, %dot_general3A_369 {dimension_numbers = #tpu.dot_dimension_numbers<[1], [0], [0], [1], [0, 0, 1, 1], [], []>, transpose_lhs_hint = false} : vector<156x512xbf16>, vector<512x512xbf16>, vector<156x512xf32> -> vector<156x512xf32>
    %add3A_371 = arith.addf %add3A_363, %dot_general3A_370 : vector<156x512xf32>
    %add3A_372 = vector.broadcast %get3A_173 : vector<1x512xf32> to vector<156x512xf32>
    %add3A_373 = arith.addf %add3A_371, %add3A_372 : vector<156x512xf32>
    %max3A_374 = arith.constant 0.000000e+00 : f32
    %max3A_375 = vector.broadcast %max3A_374 : f32 to vector<156x512xf32>
    %max3A_376 = arith.maximumf %add3A_373, %max3A_375 : vector<156x512xf32>
    %slice3A_377 = vector.extract_strided_slice %max3A_75 {offsets = [0, 0], sizes = [156, 512], strides = [1, 1]} : vector<157x512xf32> to vector<156x512xf32>
    %slice3A_378 = vector.extract_strided_slice %get3A_170 {offsets = [0, 0, 0], sizes = [1, 512, 512], strides = [1, 1, 1]} : vector<8x512x512xf32> to vector<1x512x512xf32>
    %squeeze3A_379 = vector.shape_cast %slice3A_378 : vector<1x512x512xf32> to vector<512x512xf32>
    %convert_element_type3A_380 = arith.truncf %slice3A_377 : vector<156x512xf32> to vector<156x512xbf16>
    %convert_element_type3A_381 = arith.truncf %squeeze3A_379 : vector<512x512xf32> to vector<512x512xbf16>
    %dot_general3A_382 = arith.constant dense<0.000000e+00> : vector<156x512xf32>
    %dot_general3A_383 = tpu.matmul %convert_element_type3A_380, %convert_element_type3A_381, %dot_general3A_382 {dimension_numbers = #tpu.dot_dimension_numbers<[1], [0], [0], [1], [0, 0, 1, 1], [], []>, transpose_lhs_hint = false} : vector<156x512xbf16>, vector<512x512xbf16>, vector<156x512xf32> -> vector<156x512xf32>
    %slice3A_384 = vector.extract_strided_slice %max3A_85 {offsets = [0, 0], sizes = [156, 512], strides = [1, 1]} : vector<157x512xf32> to vector<156x512xf32>
    %slice3A_385 = vector.extract_strided_slice %get3A_170 {offsets = [1, 0, 0], sizes = [1, 512, 512], strides = [1, 1, 1]} : vector<8x512x512xf32> to vector<1x512x512xf32>
    %squeeze3A_386 = vector.shape_cast %slice3A_385 : vector<1x512x512xf32> to vector<512x512xf32>
    %convert_element_type3A_387 = arith.truncf %slice3A_384 : vector<156x512xf32> to vector<156x512xbf16>
    %convert_element_type3A_388 = arith.truncf %squeeze3A_386 : vector<512x512xf32> to vector<512x512xbf16>
    %dot_general3A_389 = arith.constant dense<0.000000e+00> : vector<156x512xf32>
    %dot_general3A_390 = tpu.matmul %convert_element_type3A_387, %convert_element_type3A_388, %dot_general3A_389 {dimension_numbers = #tpu.dot_dimension_numbers<[1], [0], [0], [1], [0, 0, 1, 1], [], []>, transpose_lhs_hint = false} : vector<156x512xbf16>, vector<512x512xbf16>, vector<156x512xf32> -> vector<156x512xf32>
    %add3A_391 = arith.addf %dot_general3A_383, %dot_general3A_390 : vector<156x512xf32>
    %slice3A_392 = vector.extract_strided_slice %max3A_95 {offsets = [0, 0], sizes = [156, 512], strides = [1, 1]} : vector<157x512xf32> to vector<156x512xf32>
    %slice3A_393 = vector.extract_strided_slice %get3A_170 {offsets = [2, 0, 0], sizes = [1, 512, 512], strides = [1, 1, 1]} : vector<8x512x512xf32> to vector<1x512x512xf32>
    %squeeze3A_394 = vector.shape_cast %slice3A_393 : vector<1x512x512xf32> to vector<512x512xf32>
    %convert_element_type3A_395 = arith.truncf %slice3A_392 : vector<156x512xf32> to vector<156x512xbf16>
    %convert_element_type3A_396 = arith.truncf %squeeze3A_394 : vector<512x512xf32> to vector<512x512xbf16>
    %dot_general3A_397 = arith.constant dense<0.000000e+00> : vector<156x512xf32>
    %dot_general3A_398 = tpu.matmul %convert_element_type3A_395, %convert_element_type3A_396, %dot_general3A_397 {dimension_numbers = #tpu.dot_dimension_numbers<[1], [0], [0], [1], [0, 0, 1, 1], [], []>, transpose_lhs_hint = false} : vector<156x512xbf16>, vector<512x512xbf16>, vector<156x512xf32> -> vector<156x512xf32>
    %add3A_399 = arith.addf %add3A_391, %dot_general3A_398 : vector<156x512xf32>
    %slice3A_400 = vector.extract_strided_slice %max3A_105 {offsets = [0, 0], sizes = [156, 512], strides = [1, 1]} : vector<157x512xf32> to vector<156x512xf32>
    %slice3A_401 = vector.extract_strided_slice %get3A_170 {offsets = [3, 0, 0], sizes = [1, 512, 512], strides = [1, 1, 1]} : vector<8x512x512xf32> to vector<1x512x512xf32>
    %squeeze3A_402 = vector.shape_cast %slice3A_401 : vector<1x512x512xf32> to vector<512x512xf32>
    %convert_element_type3A_403 = arith.truncf %slice3A_400 : vector<156x512xf32> to vector<156x512xbf16>
    %convert_element_type3A_404 = arith.truncf %squeeze3A_402 : vector<512x512xf32> to vector<512x512xbf16>
    %dot_general3A_405 = arith.constant dense<0.000000e+00> : vector<156x512xf32>
    %dot_general3A_406 = tpu.matmul %convert_element_type3A_403, %convert_element_type3A_404, %dot_general3A_405 {dimension_numbers = #tpu.dot_dimension_numbers<[1], [0], [0], [1], [0, 0, 1, 1], [], []>, transpose_lhs_hint = false} : vector<156x512xbf16>, vector<512x512xbf16>, vector<156x512xf32> -> vector<156x512xf32>
    %add3A_407 = arith.addf %add3A_399, %dot_general3A_406 : vector<156x512xf32>
    %slice3A_408 = vector.extract_strided_slice %max3A_115 {offsets = [0, 0], sizes = [156, 512], strides = [1, 1]} : vector<157x512xf32> to vector<156x512xf32>
    %slice3A_409 = vector.extract_strided_slice %get3A_170 {offsets = [4, 0, 0], sizes = [1, 512, 512], strides = [1, 1, 1]} : vector<8x512x512xf32> to vector<1x512x512xf32>
    %squeeze3A_410 = vector.shape_cast %slice3A_409 : vector<1x512x512xf32> to vector<512x512xf32>
    %convert_element_type3A_411 = arith.truncf %slice3A_408 : vector<156x512xf32> to vector<156x512xbf16>
    %convert_element_type3A_412 = arith.truncf %squeeze3A_410 : vector<512x512xf32> to vector<512x512xbf16>
    %dot_general3A_413 = arith.constant dense<0.000000e+00> : vector<156x512xf32>
    %dot_general3A_414 = tpu.matmul %convert_element_type3A_411, %convert_element_type3A_412, %dot_general3A_413 {dimension_numbers = #tpu.dot_dimension_numbers<[1], [0], [0], [1], [0, 0, 1, 1], [], []>, transpose_lhs_hint = false} : vector<156x512xbf16>, vector<512x512xbf16>, vector<156x512xf32> -> vector<156x512xf32>
    %add3A_415 = arith.addf %add3A_407, %dot_general3A_414 : vector<156x512xf32>
    %slice3A_416 = vector.extract_strided_slice %max3A_125 {offsets = [0, 0], sizes = [156, 512], strides = [1, 1]} : vector<157x512xf32> to vector<156x512xf32>
    %slice3A_417 = vector.extract_strided_slice %get3A_170 {offsets = [5, 0, 0], sizes = [1, 512, 512], strides = [1, 1, 1]} : vector<8x512x512xf32> to vector<1x512x512xf32>
    %squeeze3A_418 = vector.shape_cast %slice3A_417 : vector<1x512x512xf32> to vector<512x512xf32>
    %convert_element_type3A_419 = arith.truncf %slice3A_416 : vector<156x512xf32> to vector<156x512xbf16>
    %convert_element_type3A_420 = arith.truncf %squeeze3A_418 : vector<512x512xf32> to vector<512x512xbf16>
    %dot_general3A_421 = arith.constant dense<0.000000e+00> : vector<156x512xf32>
    %dot_general3A_422 = tpu.matmul %convert_element_type3A_419, %convert_element_type3A_420, %dot_general3A_421 {dimension_numbers = #tpu.dot_dimension_numbers<[1], [0], [0], [1], [0, 0, 1, 1], [], []>, transpose_lhs_hint = false} : vector<156x512xbf16>, vector<512x512xbf16>, vector<156x512xf32> -> vector<156x512xf32>
    %add3A_423 = arith.addf %add3A_415, %dot_general3A_422 : vector<156x512xf32>
    %slice3A_424 = vector.extract_strided_slice %max3A_135 {offsets = [0, 0], sizes = [156, 512], strides = [1, 1]} : vector<157x512xf32> to vector<156x512xf32>
    %slice3A_425 = vector.extract_strided_slice %get3A_170 {offsets = [6, 0, 0], sizes = [1, 512, 512], strides = [1, 1, 1]} : vector<8x512x512xf32> to vector<1x512x512xf32>
    %squeeze3A_426 = vector.shape_cast %slice3A_425 : vector<1x512x512xf32> to vector<512x512xf32>
    %convert_element_type3A_427 = arith.truncf %slice3A_424 : vector<156x512xf32> to vector<156x512xbf16>
    %convert_element_type3A_428 = arith.truncf %squeeze3A_426 : vector<512x512xf32> to vector<512x512xbf16>
    %dot_general3A_429 = arith.constant dense<0.000000e+00> : vector<156x512xf32>
    %dot_general3A_430 = tpu.matmul %convert_element_type3A_427, %convert_element_type3A_428, %dot_general3A_429 {dimension_numbers = #tpu.dot_dimension_numbers<[1], [0], [0], [1], [0, 0, 1, 1], [], []>, transpose_lhs_hint = false} : vector<156x512xbf16>, vector<512x512xbf16>, vector<156x512xf32> -> vector<156x512xf32>
    %add3A_431 = arith.addf %add3A_423, %dot_general3A_430 : vector<156x512xf32>
    %slice3A_432 = vector.extract_strided_slice %max3A_145 {offsets = [0, 0], sizes = [156, 512], strides = [1, 1]} : vector<157x512xf32> to vector<156x512xf32>
    %slice3A_433 = vector.extract_strided_slice %get3A_170 {offsets = [7, 0, 0], sizes = [1, 512, 512], strides = [1, 1, 1]} : vector<8x512x512xf32> to vector<1x512x512xf32>
    %squeeze3A_434 = vector.shape_cast %slice3A_433 : vector<1x512x512xf32> to vector<512x512xf32>
    %convert_element_type3A_435 = arith.truncf %slice3A_432 : vector<156x512xf32> to vector<156x512xbf16>
    %convert_element_type3A_436 = arith.truncf %squeeze3A_434 : vector<512x512xf32> to vector<512x512xbf16>
    %dot_general3A_437 = arith.constant dense<0.000000e+00> : vector<156x512xf32>
    %dot_general3A_438 = tpu.matmul %convert_element_type3A_435, %convert_element_type3A_436, %dot_general3A_437 {dimension_numbers = #tpu.dot_dimension_numbers<[1], [0], [0], [1], [0, 0, 1, 1], [], []>, transpose_lhs_hint = false} : vector<156x512xbf16>, vector<512x512xbf16>, vector<156x512xf32> -> vector<156x512xf32>
    %add3A_439 = arith.addf %add3A_431, %dot_general3A_438 : vector<156x512xf32>
    %add3A_440 = vector.broadcast %get3A_173 : vector<1x512xf32> to vector<156x512xf32>
    %add3A_441 = arith.addf %add3A_439, %add3A_440 : vector<156x512xf32>
    %max3A_442 = arith.constant 0.000000e+00 : f32
    %max3A_443 = vector.broadcast %max3A_442 : f32 to vector<156x512xf32>
    %max3A_444 = arith.maximumf %add3A_441, %max3A_443 : vector<156x512xf32>
    %slice3A_445 = vector.extract_strided_slice %max3A_95 {offsets = [0, 0], sizes = [156, 512], strides = [1, 1]} : vector<157x512xf32> to vector<156x512xf32>
    %slice3A_446 = vector.extract_strided_slice %get3A_170 {offsets = [0, 0, 0], sizes = [1, 512, 512], strides = [1, 1, 1]} : vector<8x512x512xf32> to vector<1x512x512xf32>
    %squeeze3A_447 = vector.shape_cast %slice3A_446 : vector<1x512x512xf32> to vector<512x512xf32>
    %convert_element_type3A_448 = arith.truncf %slice3A_445 : vector<156x512xf32> to vector<156x512xbf16>
    %convert_element_type3A_449 = arith.truncf %squeeze3A_447 : vector<512x512xf32> to vector<512x512xbf16>
    %dot_general3A_450 = arith.constant dense<0.000000e+00> : vector<156x512xf32>
    %dot_general3A_451 = tpu.matmul %convert_element_type3A_448, %convert_element_type3A_449, %dot_general3A_450 {dimension_numbers = #tpu.dot_dimension_numbers<[1], [0], [0], [1], [0, 0, 1, 1], [], []>, transpose_lhs_hint = false} : vector<156x512xbf16>, vector<512x512xbf16>, vector<156x512xf32> -> vector<156x512xf32>
    %slice3A_452 = vector.extract_strided_slice %max3A_105 {offsets = [0, 0], sizes = [156, 512], strides = [1, 1]} : vector<157x512xf32> to vector<156x512xf32>
    %slice3A_453 = vector.extract_strided_slice %get3A_170 {offsets = [1, 0, 0], sizes = [1, 512, 512], strides = [1, 1, 1]} : vector<8x512x512xf32> to vector<1x512x512xf32>
    %squeeze3A_454 = vector.shape_cast %slice3A_453 : vector<1x512x512xf32> to vector<512x512xf32>
    %convert_element_type3A_455 = arith.truncf %slice3A_452 : vector<156x512xf32> to vector<156x512xbf16>
    %convert_element_type3A_456 = arith.truncf %squeeze3A_454 : vector<512x512xf32> to vector<512x512xbf16>
    %dot_general3A_457 = arith.constant dense<0.000000e+00> : vector<156x512xf32>
    %dot_general3A_458 = tpu.matmul %convert_element_type3A_455, %convert_element_type3A_456, %dot_general3A_457 {dimension_numbers = #tpu.dot_dimension_numbers<[1], [0], [0], [1], [0, 0, 1, 1], [], []>, transpose_lhs_hint = false} : vector<156x512xbf16>, vector<512x512xbf16>, vector<156x512xf32> -> vector<156x512xf32>
    %add3A_459 = arith.addf %dot_general3A_451, %dot_general3A_458 : vector<156x512xf32>
    %slice3A_460 = vector.extract_strided_slice %max3A_115 {offsets = [0, 0], sizes = [156, 512], strides = [1, 1]} : vector<157x512xf32> to vector<156x512xf32>
    %slice3A_461 = vector.extract_strided_slice %get3A_170 {offsets = [2, 0, 0], sizes = [1, 512, 512], strides = [1, 1, 1]} : vector<8x512x512xf32> to vector<1x512x512xf32>
    %squeeze3A_462 = vector.shape_cast %slice3A_461 : vector<1x512x512xf32> to vector<512x512xf32>
    %convert_element_type3A_463 = arith.truncf %slice3A_460 : vector<156x512xf32> to vector<156x512xbf16>
    %convert_element_type3A_464 = arith.truncf %squeeze3A_462 : vector<512x512xf32> to vector<512x512xbf16>
    %dot_general3A_465 = arith.constant dense<0.000000e+00> : vector<156x512xf32>
    %dot_general3A_466 = tpu.matmul %convert_element_type3A_463, %convert_element_type3A_464, %dot_general3A_465 {dimension_numbers = #tpu.dot_dimension_numbers<[1], [0], [0], [1], [0, 0, 1, 1], [], []>, transpose_lhs_hint = false} : vector<156x512xbf16>, vector<512x512xbf16>, vector<156x512xf32> -> vector<156x512xf32>
    %add3A_467 = arith.addf %add3A_459, %dot_general3A_466 : vector<156x512xf32>
    %slice3A_468 = vector.extract_strided_slice %max3A_125 {offsets = [0, 0], sizes = [156, 512], strides = [1, 1]} : vector<157x512xf32> to vector<156x512xf32>
    %slice3A_469 = vector.extract_strided_slice %get3A_170 {offsets = [3, 0, 0], sizes = [1, 512, 512], strides = [1, 1, 1]} : vector<8x512x512xf32> to vector<1x512x512xf32>
    %squeeze3A_470 = vector.shape_cast %slice3A_469 : vector<1x512x512xf32> to vector<512x512xf32>
    %convert_element_type3A_471 = arith.truncf %slice3A_468 : vector<156x512xf32> to vector<156x512xbf16>
    %convert_element_type3A_472 = arith.truncf %squeeze3A_470 : vector<512x512xf32> to vector<512x512xbf16>
    %dot_general3A_473 = arith.constant dense<0.000000e+00> : vector<156x512xf32>
    %dot_general3A_474 = tpu.matmul %convert_element_type3A_471, %convert_element_type3A_472, %dot_general3A_473 {dimension_numbers = #tpu.dot_dimension_numbers<[1], [0], [0], [1], [0, 0, 1, 1], [], []>, transpose_lhs_hint = false} : vector<156x512xbf16>, vector<512x512xbf16>, vector<156x512xf32> -> vector<156x512xf32>
    %add3A_475 = arith.addf %add3A_467, %dot_general3A_474 : vector<156x512xf32>
    %slice3A_476 = vector.extract_strided_slice %max3A_135 {offsets = [0, 0], sizes = [156, 512], strides = [1, 1]} : vector<157x512xf32> to vector<156x512xf32>
    %slice3A_477 = vector.extract_strided_slice %get3A_170 {offsets = [4, 0, 0], sizes = [1, 512, 512], strides = [1, 1, 1]} : vector<8x512x512xf32> to vector<1x512x512xf32>
    %squeeze3A_478 = vector.shape_cast %slice3A_477 : vector<1x512x512xf32> to vector<512x512xf32>
    %convert_element_type3A_479 = arith.truncf %slice3A_476 : vector<156x512xf32> to vector<156x512xbf16>
    %convert_element_type3A_480 = arith.truncf %squeeze3A_478 : vector<512x512xf32> to vector<512x512xbf16>
    %dot_general3A_481 = arith.constant dense<0.000000e+00> : vector<156x512xf32>
    %dot_general3A_482 = tpu.matmul %convert_element_type3A_479, %convert_element_type3A_480, %dot_general3A_481 {dimension_numbers = #tpu.dot_dimension_numbers<[1], [0], [0], [1], [0, 0, 1, 1], [], []>, transpose_lhs_hint = false} : vector<156x512xbf16>, vector<512x512xbf16>, vector<156x512xf32> -> vector<156x512xf32>
    %add3A_483 = arith.addf %add3A_475, %dot_general3A_482 : vector<156x512xf32>
    %slice3A_484 = vector.extract_strided_slice %max3A_145 {offsets = [0, 0], sizes = [156, 512], strides = [1, 1]} : vector<157x512xf32> to vector<156x512xf32>
    %slice3A_485 = vector.extract_strided_slice %get3A_170 {offsets = [5, 0, 0], sizes = [1, 512, 512], strides = [1, 1, 1]} : vector<8x512x512xf32> to vector<1x512x512xf32>
    %squeeze3A_486 = vector.shape_cast %slice3A_485 : vector<1x512x512xf32> to vector<512x512xf32>
    %convert_element_type3A_487 = arith.truncf %slice3A_484 : vector<156x512xf32> to vector<156x512xbf16>
    %convert_element_type3A_488 = arith.truncf %squeeze3A_486 : vector<512x512xf32> to vector<512x512xbf16>
    %dot_general3A_489 = arith.constant dense<0.000000e+00> : vector<156x512xf32>
    %dot_general3A_490 = tpu.matmul %convert_element_type3A_487, %convert_element_type3A_488, %dot_general3A_489 {dimension_numbers = #tpu.dot_dimension_numbers<[1], [0], [0], [1], [0, 0, 1, 1], [], []>, transpose_lhs_hint = false} : vector<156x512xbf16>, vector<512x512xbf16>, vector<156x512xf32> -> vector<156x512xf32>
    %add3A_491 = arith.addf %add3A_483, %dot_general3A_490 : vector<156x512xf32>
    %slice3A_492 = vector.extract_strided_slice %max3A_155 {offsets = [0, 0], sizes = [156, 512], strides = [1, 1]} : vector<157x512xf32> to vector<156x512xf32>
    %slice3A_493 = vector.extract_strided_slice %get3A_170 {offsets = [6, 0, 0], sizes = [1, 512, 512], strides = [1, 1, 1]} : vector<8x512x512xf32> to vector<1x512x512xf32>
    %squeeze3A_494 = vector.shape_cast %slice3A_493 : vector<1x512x512xf32> to vector<512x512xf32>
    %convert_element_type3A_495 = arith.truncf %slice3A_492 : vector<156x512xf32> to vector<156x512xbf16>
    %convert_element_type3A_496 = arith.truncf %squeeze3A_494 : vector<512x512xf32> to vector<512x512xbf16>
    %dot_general3A_497 = arith.constant dense<0.000000e+00> : vector<156x512xf32>
    %dot_general3A_498 = tpu.matmul %convert_element_type3A_495, %convert_element_type3A_496, %dot_general3A_497 {dimension_numbers = #tpu.dot_dimension_numbers<[1], [0], [0], [1], [0, 0, 1, 1], [], []>, transpose_lhs_hint = false} : vector<156x512xbf16>, vector<512x512xbf16>, vector<156x512xf32> -> vector<156x512xf32>
    %add3A_499 = arith.addf %add3A_491, %dot_general3A_498 : vector<156x512xf32>
    %slice3A_500 = vector.extract_strided_slice %max3A_166 {offsets = [0, 0], sizes = [156, 512], strides = [1, 1]} : vector<157x512xf32> to vector<156x512xf32>
    %slice3A_501 = vector.extract_strided_slice %get3A_170 {offsets = [7, 0, 0], sizes = [1, 512, 512], strides = [1, 1, 1]} : vector<8x512x512xf32> to vector<1x512x512xf32>
    %squeeze3A_502 = vector.shape_cast %slice3A_501 : vector<1x512x512xf32> to vector<512x512xf32>
    %convert_element_type3A_503 = arith.truncf %slice3A_500 : vector<156x512xf32> to vector<156x512xbf16>
    %convert_element_type3A_504 = arith.truncf %squeeze3A_502 : vector<512x512xf32> to vector<512x512xbf16>
    %dot_general3A_505 = arith.constant dense<0.000000e+00> : vector<156x512xf32>
    %dot_general3A_506 = tpu.matmul %convert_element_type3A_503, %convert_element_type3A_504, %dot_general3A_505 {dimension_numbers = #tpu.dot_dimension_numbers<[1], [0], [0], [1], [0, 0, 1, 1], [], []>, transpose_lhs_hint = false} : vector<156x512xbf16>, vector<512x512xbf16>, vector<156x512xf32> -> vector<156x512xf32>
    %add3A_507 = arith.addf %add3A_499, %dot_general3A_506 : vector<156x512xf32>
    %add3A_508 = vector.broadcast %get3A_173 : vector<1x512xf32> to vector<156x512xf32>
    %add3A_509 = arith.addf %add3A_507, %add3A_508 : vector<156x512xf32>
    %max3A_510 = arith.constant 0.000000e+00 : f32
    %max3A_511 = vector.broadcast %max3A_510 : f32 to vector<156x512xf32>
    %max3A_512 = arith.maximumf %add3A_509, %max3A_511 : vector<156x512xf32>
    %slice3A_513 = vector.extract_strided_slice %max3A_115 {offsets = [0, 0], sizes = [156, 512], strides = [1, 1]} : vector<157x512xf32> to vector<156x512xf32>
    %slice3A_514 = vector.extract_strided_slice %get3A_170 {offsets = [0, 0, 0], sizes = [1, 512, 512], strides = [1, 1, 1]} : vector<8x512x512xf32> to vector<1x512x512xf32>
    %squeeze3A_515 = vector.shape_cast %slice3A_514 : vector<1x512x512xf32> to vector<512x512xf32>
    %convert_element_type3A_516 = arith.truncf %slice3A_513 : vector<156x512xf32> to vector<156x512xbf16>
    %convert_element_type3A_517 = arith.truncf %squeeze3A_515 : vector<512x512xf32> to vector<512x512xbf16>
    %dot_general3A_518 = arith.constant dense<0.000000e+00> : vector<156x512xf32>
    %dot_general3A_519 = tpu.matmul %convert_element_type3A_516, %convert_element_type3A_517, %dot_general3A_518 {dimension_numbers = #tpu.dot_dimension_numbers<[1], [0], [0], [1], [0, 0, 1, 1], [], []>, transpose_lhs_hint = false} : vector<156x512xbf16>, vector<512x512xbf16>, vector<156x512xf32> -> vector<156x512xf32>
    %slice3A_520 = vector.extract_strided_slice %max3A_125 {offsets = [0, 0], sizes = [156, 512], strides = [1, 1]} : vector<157x512xf32> to vector<156x512xf32>
    %slice3A_521 = vector.extract_strided_slice %get3A_170 {offsets = [1, 0, 0], sizes = [1, 512, 512], strides = [1, 1, 1]} : vector<8x512x512xf32> to vector<1x512x512xf32>
    %squeeze3A_522 = vector.shape_cast %slice3A_521 : vector<1x512x512xf32> to vector<512x512xf32>
    %convert_element_type3A_523 = arith.truncf %slice3A_520 : vector<156x512xf32> to vector<156x512xbf16>
    %convert_element_type3A_524 = arith.truncf %squeeze3A_522 : vector<512x512xf32> to vector<512x512xbf16>
    %dot_general3A_525 = arith.constant dense<0.000000e+00> : vector<156x512xf32>
    %dot_general3A_526 = tpu.matmul %convert_element_type3A_523, %convert_element_type3A_524, %dot_general3A_525 {dimension_numbers = #tpu.dot_dimension_numbers<[1], [0], [0], [1], [0, 0, 1, 1], [], []>, transpose_lhs_hint = false} : vector<156x512xbf16>, vector<512x512xbf16>, vector<156x512xf32> -> vector<156x512xf32>
    %add3A_527 = arith.addf %dot_general3A_519, %dot_general3A_526 : vector<156x512xf32>
    %slice3A_528 = vector.extract_strided_slice %max3A_135 {offsets = [0, 0], sizes = [156, 512], strides = [1, 1]} : vector<157x512xf32> to vector<156x512xf32>
    %slice3A_529 = vector.extract_strided_slice %get3A_170 {offsets = [2, 0, 0], sizes = [1, 512, 512], strides = [1, 1, 1]} : vector<8x512x512xf32> to vector<1x512x512xf32>
    %squeeze3A_530 = vector.shape_cast %slice3A_529 : vector<1x512x512xf32> to vector<512x512xf32>
    %convert_element_type3A_531 = arith.truncf %slice3A_528 : vector<156x512xf32> to vector<156x512xbf16>
    %convert_element_type3A_532 = arith.truncf %squeeze3A_530 : vector<512x512xf32> to vector<512x512xbf16>
    %dot_general3A_533 = arith.constant dense<0.000000e+00> : vector<156x512xf32>
    %dot_general3A_534 = tpu.matmul %convert_element_type3A_531, %convert_element_type3A_532, %dot_general3A_533 {dimension_numbers = #tpu.dot_dimension_numbers<[1], [0], [0], [1], [0, 0, 1, 1], [], []>, transpose_lhs_hint = false} : vector<156x512xbf16>, vector<512x512xbf16>, vector<156x512xf32> -> vector<156x512xf32>
    %add3A_535 = arith.addf %add3A_527, %dot_general3A_534 : vector<156x512xf32>
    %slice3A_536 = vector.extract_strided_slice %max3A_145 {offsets = [0, 0], sizes = [156, 512], strides = [1, 1]} : vector<157x512xf32> to vector<156x512xf32>
    %slice3A_537 = vector.extract_strided_slice %get3A_170 {offsets = [3, 0, 0], sizes = [1, 512, 512], strides = [1, 1, 1]} : vector<8x512x512xf32> to vector<1x512x512xf32>
    %squeeze3A_538 = vector.shape_cast %slice3A_537 : vector<1x512x512xf32> to vector<512x512xf32>
    %convert_element_type3A_539 = arith.truncf %slice3A_536 : vector<156x512xf32> to vector<156x512xbf16>
    %convert_element_type3A_540 = arith.truncf %squeeze3A_538 : vector<512x512xf32> to vector<512x512xbf16>
    %dot_general3A_541 = arith.constant dense<0.000000e+00> : vector<156x512xf32>
    %dot_general3A_542 = tpu.matmul %convert_element_type3A_539, %convert_element_type3A_540, %dot_general3A_541 {dimension_numbers = #tpu.dot_dimension_numbers<[1], [0], [0], [1], [0, 0, 1, 1], [], []>, transpose_lhs_hint = false} : vector<156x512xbf16>, vector<512x512xbf16>, vector<156x512xf32> -> vector<156x512xf32>
    %add3A_543 = arith.addf %add3A_535, %dot_general3A_542 : vector<156x512xf32>
    %slice3A_544 = vector.extract_strided_slice %max3A_155 {offsets = [0, 0], sizes = [156, 512], strides = [1, 1]} : vector<157x512xf32> to vector<156x512xf32>
    %slice3A_545 = vector.extract_strided_slice %get3A_170 {offsets = [4, 0, 0], sizes = [1, 512, 512], strides = [1, 1, 1]} : vector<8x512x512xf32> to vector<1x512x512xf32>
    %squeeze3A_546 = vector.shape_cast %slice3A_545 : vector<1x512x512xf32> to vector<512x512xf32>
    %convert_element_type3A_547 = arith.truncf %slice3A_544 : vector<156x512xf32> to vector<156x512xbf16>
    %convert_element_type3A_548 = arith.truncf %squeeze3A_546 : vector<512x512xf32> to vector<512x512xbf16>
    %dot_general3A_549 = arith.constant dense<0.000000e+00> : vector<156x512xf32>
    %dot_general3A_550 = tpu.matmul %convert_element_type3A_547, %convert_element_type3A_548, %dot_general3A_549 {dimension_numbers = #tpu.dot_dimension_numbers<[1], [0], [0], [1], [0, 0, 1, 1], [], []>, transpose_lhs_hint = false} : vector<156x512xbf16>, vector<512x512xbf16>, vector<156x512xf32> -> vector<156x512xf32>
    %add3A_551 = arith.addf %add3A_543, %dot_general3A_550 : vector<156x512xf32>
    %slice3A_552 = vector.extract_strided_slice %max3A_166 {offsets = [0, 0], sizes = [156, 512], strides = [1, 1]} : vector<157x512xf32> to vector<156x512xf32>
    %slice3A_553 = vector.extract_strided_slice %get3A_170 {offsets = [5, 0, 0], sizes = [1, 512, 512], strides = [1, 1, 1]} : vector<8x512x512xf32> to vector<1x512x512xf32>
    %squeeze3A_554 = vector.shape_cast %slice3A_553 : vector<1x512x512xf32> to vector<512x512xf32>
    %convert_element_type3A_555 = arith.truncf %slice3A_552 : vector<156x512xf32> to vector<156x512xbf16>
    %convert_element_type3A_556 = arith.truncf %squeeze3A_554 : vector<512x512xf32> to vector<512x512xbf16>
    %dot_general3A_557 = arith.constant dense<0.000000e+00> : vector<156x512xf32>
    %dot_general3A_558 = tpu.matmul %convert_element_type3A_555, %convert_element_type3A_556, %dot_general3A_557 {dimension_numbers = #tpu.dot_dimension_numbers<[1], [0], [0], [1], [0, 0, 1, 1], [], []>, transpose_lhs_hint = false} : vector<156x512xbf16>, vector<512x512xbf16>, vector<156x512xf32> -> vector<156x512xf32>
    %add3A_559 = arith.addf %add3A_551, %dot_general3A_558 : vector<156x512xf32>
    %slice3A_560 = vector.extract_strided_slice %max3A_15 {offsets = [1, 0], sizes = [156, 512], strides = [1, 1]} : vector<157x512xf32> to vector<156x512xf32>
    %slice3A_561 = vector.extract_strided_slice %get3A_170 {offsets = [6, 0, 0], sizes = [1, 512, 512], strides = [1, 1, 1]} : vector<8x512x512xf32> to vector<1x512x512xf32>
    %squeeze3A_562 = vector.shape_cast %slice3A_561 : vector<1x512x512xf32> to vector<512x512xf32>
    %convert_element_type3A_563 = arith.truncf %slice3A_560 : vector<156x512xf32> to vector<156x512xbf16>
    %convert_element_type3A_564 = arith.truncf %squeeze3A_562 : vector<512x512xf32> to vector<512x512xbf16>
    %dot_general3A_565 = arith.constant dense<0.000000e+00> : vector<156x512xf32>
    %dot_general3A_566 = tpu.matmul %convert_element_type3A_563, %convert_element_type3A_564, %dot_general3A_565 {dimension_numbers = #tpu.dot_dimension_numbers<[1], [0], [0], [1], [0, 0, 1, 1], [], []>, transpose_lhs_hint = false} : vector<156x512xbf16>, vector<512x512xbf16>, vector<156x512xf32> -> vector<156x512xf32>
    %add3A_567 = arith.addf %add3A_559, %dot_general3A_566 : vector<156x512xf32>
    %slice3A_568 = vector.extract_strided_slice %max3A_25 {offsets = [1, 0], sizes = [156, 512], strides = [1, 1]} : vector<157x512xf32> to vector<156x512xf32>
    %slice3A_569 = vector.extract_strided_slice %get3A_170 {offsets = [7, 0, 0], sizes = [1, 512, 512], strides = [1, 1, 1]} : vector<8x512x512xf32> to vector<1x512x512xf32>
    %squeeze3A_570 = vector.shape_cast %slice3A_569 : vector<1x512x512xf32> to vector<512x512xf32>
    %convert_element_type3A_571 = arith.truncf %slice3A_568 : vector<156x512xf32> to vector<156x512xbf16>
    %convert_element_type3A_572 = arith.truncf %squeeze3A_570 : vector<512x512xf32> to vector<512x512xbf16>
    %dot_general3A_573 = arith.constant dense<0.000000e+00> : vector<156x512xf32>
    %dot_general3A_574 = tpu.matmul %convert_element_type3A_571, %convert_element_type3A_572, %dot_general3A_573 {dimension_numbers = #tpu.dot_dimension_numbers<[1], [0], [0], [1], [0, 0, 1, 1], [], []>, transpose_lhs_hint = false} : vector<156x512xbf16>, vector<512x512xbf16>, vector<156x512xf32> -> vector<156x512xf32>
    %add3A_575 = arith.addf %add3A_567, %dot_general3A_574 : vector<156x512xf32>
    %add3A_576 = vector.broadcast %get3A_173 : vector<1x512xf32> to vector<156x512xf32>
    %add3A_577 = arith.addf %add3A_575, %add3A_576 : vector<156x512xf32>
    %max3A_578 = arith.constant 0.000000e+00 : f32
    %max3A_579 = vector.broadcast %max3A_578 : f32 to vector<156x512xf32>
    %max3A_580 = arith.maximumf %add3A_577, %max3A_579 : vector<156x512xf32>
    %slice3A_581 = vector.extract_strided_slice %max3A_135 {offsets = [0, 0], sizes = [156, 512], strides = [1, 1]} : vector<157x512xf32> to vector<156x512xf32>
    %slice3A_582 = vector.extract_strided_slice %get3A_170 {offsets = [0, 0, 0], sizes = [1, 512, 512], strides = [1, 1, 1]} : vector<8x512x512xf32> to vector<1x512x512xf32>
    %squeeze3A_583 = vector.shape_cast %slice3A_582 : vector<1x512x512xf32> to vector<512x512xf32>
    %convert_element_type3A_584 = arith.truncf %slice3A_581 : vector<156x512xf32> to vector<156x512xbf16>
    %convert_element_type3A_585 = arith.truncf %squeeze3A_583 : vector<512x512xf32> to vector<512x512xbf16>
    %dot_general3A_586 = arith.constant dense<0.000000e+00> : vector<156x512xf32>
    %dot_general3A_587 = tpu.matmul %convert_element_type3A_584, %convert_element_type3A_585, %dot_general3A_586 {dimension_numbers = #tpu.dot_dimension_numbers<[1], [0], [0], [1], [0, 0, 1, 1], [], []>, transpose_lhs_hint = false} : vector<156x512xbf16>, vector<512x512xbf16>, vector<156x512xf32> -> vector<156x512xf32>
    %slice3A_588 = vector.extract_strided_slice %max3A_145 {offsets = [0, 0], sizes = [156, 512], strides = [1, 1]} : vector<157x512xf32> to vector<156x512xf32>
    %slice3A_589 = vector.extract_strided_slice %get3A_170 {offsets = [1, 0, 0], sizes = [1, 512, 512], strides = [1, 1, 1]} : vector<8x512x512xf32> to vector<1x512x512xf32>
    %squeeze3A_590 = vector.shape_cast %slice3A_589 : vector<1x512x512xf32> to vector<512x512xf32>
    %convert_element_type3A_591 = arith.truncf %slice3A_588 : vector<156x512xf32> to vector<156x512xbf16>
    %convert_element_type3A_592 = arith.truncf %squeeze3A_590 : vector<512x512xf32> to vector<512x512xbf16>
    %dot_general3A_593 = arith.constant dense<0.000000e+00> : vector<156x512xf32>
    %dot_general3A_594 = tpu.matmul %convert_element_type3A_591, %convert_element_type3A_592, %dot_general3A_593 {dimension_numbers = #tpu.dot_dimension_numbers<[1], [0], [0], [1], [0, 0, 1, 1], [], []>, transpose_lhs_hint = false} : vector<156x512xbf16>, vector<512x512xbf16>, vector<156x512xf32> -> vector<156x512xf32>
    %add3A_595 = arith.addf %dot_general3A_587, %dot_general3A_594 : vector<156x512xf32>
    %slice3A_596 = vector.extract_strided_slice %max3A_155 {offsets = [0, 0], sizes = [156, 512], strides = [1, 1]} : vector<157x512xf32> to vector<156x512xf32>
    %slice3A_597 = vector.extract_strided_slice %get3A_170 {offsets = [2, 0, 0], sizes = [1, 512, 512], strides = [1, 1, 1]} : vector<8x512x512xf32> to vector<1x512x512xf32>
    %squeeze3A_598 = vector.shape_cast %slice3A_597 : vector<1x512x512xf32> to vector<512x512xf32>
    %convert_element_type3A_599 = arith.truncf %slice3A_596 : vector<156x512xf32> to vector<156x512xbf16>
    %convert_element_type3A_600 = arith.truncf %squeeze3A_598 : vector<512x512xf32> to vector<512x512xbf16>
    %dot_general3A_601 = arith.constant dense<0.000000e+00> : vector<156x512xf32>
    %dot_general3A_602 = tpu.matmul %convert_element_type3A_599, %convert_element_type3A_600, %dot_general3A_601 {dimension_numbers = #tpu.dot_dimension_numbers<[1], [0], [0], [1], [0, 0, 1, 1], [], []>, transpose_lhs_hint = false} : vector<156x512xbf16>, vector<512x512xbf16>, vector<156x512xf32> -> vector<156x512xf32>
    %add3A_603 = arith.addf %add3A_595, %dot_general3A_602 : vector<156x512xf32>
    %slice3A_604 = vector.extract_strided_slice %max3A_166 {offsets = [0, 0], sizes = [156, 512], strides = [1, 1]} : vector<157x512xf32> to vector<156x512xf32>
    %slice3A_605 = vector.extract_strided_slice %get3A_170 {offsets = [3, 0, 0], sizes = [1, 512, 512], strides = [1, 1, 1]} : vector<8x512x512xf32> to vector<1x512x512xf32>
    %squeeze3A_606 = vector.shape_cast %slice3A_605 : vector<1x512x512xf32> to vector<512x512xf32>
    %convert_element_type3A_607 = arith.truncf %slice3A_604 : vector<156x512xf32> to vector<156x512xbf16>
    %convert_element_type3A_608 = arith.truncf %squeeze3A_606 : vector<512x512xf32> to vector<512x512xbf16>
    %dot_general3A_609 = arith.constant dense<0.000000e+00> : vector<156x512xf32>
    %dot_general3A_610 = tpu.matmul %convert_element_type3A_607, %convert_element_type3A_608, %dot_general3A_609 {dimension_numbers = #tpu.dot_dimension_numbers<[1], [0], [0], [1], [0, 0, 1, 1], [], []>, transpose_lhs_hint = false} : vector<156x512xbf16>, vector<512x512xbf16>, vector<156x512xf32> -> vector<156x512xf32>
    %add3A_611 = arith.addf %add3A_603, %dot_general3A_610 : vector<156x512xf32>
    %slice3A_612 = vector.extract_strided_slice %max3A_15 {offsets = [1, 0], sizes = [156, 512], strides = [1, 1]} : vector<157x512xf32> to vector<156x512xf32>
    %slice3A_613 = vector.extract_strided_slice %get3A_170 {offsets = [4, 0, 0], sizes = [1, 512, 512], strides = [1, 1, 1]} : vector<8x512x512xf32> to vector<1x512x512xf32>
    %squeeze3A_614 = vector.shape_cast %slice3A_613 : vector<1x512x512xf32> to vector<512x512xf32>
    %convert_element_type3A_615 = arith.truncf %slice3A_612 : vector<156x512xf32> to vector<156x512xbf16>
    %convert_element_type3A_616 = arith.truncf %squeeze3A_614 : vector<512x512xf32> to vector<512x512xbf16>
    %dot_general3A_617 = arith.constant dense<0.000000e+00> : vector<156x512xf32>
    %dot_general3A_618 = tpu.matmul %convert_element_type3A_615, %convert_element_type3A_616, %dot_general3A_617 {dimension_numbers = #tpu.dot_dimension_numbers<[1], [0], [0], [1], [0, 0, 1, 1], [], []>, transpose_lhs_hint = false} : vector<156x512xbf16>, vector<512x512xbf16>, vector<156x512xf32> -> vector<156x512xf32>
    %add3A_619 = arith.addf %add3A_611, %dot_general3A_618 : vector<156x512xf32>
    %slice3A_620 = vector.extract_strided_slice %max3A_25 {offsets = [1, 0], sizes = [156, 512], strides = [1, 1]} : vector<157x512xf32> to vector<156x512xf32>
    %slice3A_621 = vector.extract_strided_slice %get3A_170 {offsets = [5, 0, 0], sizes = [1, 512, 512], strides = [1, 1, 1]} : vector<8x512x512xf32> to vector<1x512x512xf32>
    %squeeze3A_622 = vector.shape_cast %slice3A_621 : vector<1x512x512xf32> to vector<512x512xf32>
    %convert_element_type3A_623 = arith.truncf %slice3A_620 : vector<156x512xf32> to vector<156x512xbf16>
    %convert_element_type3A_624 = arith.truncf %squeeze3A_622 : vector<512x512xf32> to vector<512x512xbf16>
    %dot_general3A_625 = arith.constant dense<0.000000e+00> : vector<156x512xf32>
    %dot_general3A_626 = tpu.matmul %convert_element_type3A_623, %convert_element_type3A_624, %dot_general3A_625 {dimension_numbers = #tpu.dot_dimension_numbers<[1], [0], [0], [1], [0, 0, 1, 1], [], []>, transpose_lhs_hint = false} : vector<156x512xbf16>, vector<512x512xbf16>, vector<156x512xf32> -> vector<156x512xf32>
    %add3A_627 = arith.addf %add3A_619, %dot_general3A_626 : vector<156x512xf32>
    %slice3A_628 = vector.extract_strided_slice %max3A_35 {offsets = [1, 0], sizes = [156, 512], strides = [1, 1]} : vector<157x512xf32> to vector<156x512xf32>
    %slice3A_629 = vector.extract_strided_slice %get3A_170 {offsets = [6, 0, 0], sizes = [1, 512, 512], strides = [1, 1, 1]} : vector<8x512x512xf32> to vector<1x512x512xf32>
    %squeeze3A_630 = vector.shape_cast %slice3A_629 : vector<1x512x512xf32> to vector<512x512xf32>
    %convert_element_type3A_631 = arith.truncf %slice3A_628 : vector<156x512xf32> to vector<156x512xbf16>
    %convert_element_type3A_632 = arith.truncf %squeeze3A_630 : vector<512x512xf32> to vector<512x512xbf16>
    %dot_general3A_633 = arith.constant dense<0.000000e+00> : vector<156x512xf32>
    %dot_general3A_634 = tpu.matmul %convert_element_type3A_631, %convert_element_type3A_632, %dot_general3A_633 {dimension_numbers = #tpu.dot_dimension_numbers<[1], [0], [0], [1], [0, 0, 1, 1], [], []>, transpose_lhs_hint = false} : vector<156x512xbf16>, vector<512x512xbf16>, vector<156x512xf32> -> vector<156x512xf32>
    %add3A_635 = arith.addf %add3A_627, %dot_general3A_634 : vector<156x512xf32>
    %slice3A_636 = vector.extract_strided_slice %max3A_45 {offsets = [1, 0], sizes = [156, 512], strides = [1, 1]} : vector<157x512xf32> to vector<156x512xf32>
    %slice3A_637 = vector.extract_strided_slice %get3A_170 {offsets = [7, 0, 0], sizes = [1, 512, 512], strides = [1, 1, 1]} : vector<8x512x512xf32> to vector<1x512x512xf32>
    %squeeze3A_638 = vector.shape_cast %slice3A_637 : vector<1x512x512xf32> to vector<512x512xf32>
    %convert_element_type3A_639 = arith.truncf %slice3A_636 : vector<156x512xf32> to vector<156x512xbf16>
    %convert_element_type3A_640 = arith.truncf %squeeze3A_638 : vector<512x512xf32> to vector<512x512xbf16>
    %dot_general3A_641 = arith.constant dense<0.000000e+00> : vector<156x512xf32>
    %dot_general3A_642 = tpu.matmul %convert_element_type3A_639, %convert_element_type3A_640, %dot_general3A_641 {dimension_numbers = #tpu.dot_dimension_numbers<[1], [0], [0], [1], [0, 0, 1, 1], [], []>, transpose_lhs_hint = false} : vector<156x512xbf16>, vector<512x512xbf16>, vector<156x512xf32> -> vector<156x512xf32>
    %add3A_643 = arith.addf %add3A_635, %dot_general3A_642 : vector<156x512xf32>
    %add3A_644 = vector.broadcast %get3A_173 : vector<1x512xf32> to vector<156x512xf32>
    %add3A_645 = arith.addf %add3A_643, %add3A_644 : vector<156x512xf32>
    %max3A_646 = arith.constant 0.000000e+00 : f32
    %max3A_647 = vector.broadcast %max3A_646 : f32 to vector<156x512xf32>
    %max3A_648 = arith.maximumf %add3A_645, %max3A_647 : vector<156x512xf32>
    %slice3A_649 = vector.extract_strided_slice %max3A_155 {offsets = [0, 0], sizes = [156, 512], strides = [1, 1]} : vector<157x512xf32> to vector<156x512xf32>
    %slice3A_650 = vector.extract_strided_slice %get3A_170 {offsets = [0, 0, 0], sizes = [1, 512, 512], strides = [1, 1, 1]} : vector<8x512x512xf32> to vector<1x512x512xf32>
    %squeeze3A_651 = vector.shape_cast %slice3A_650 : vector<1x512x512xf32> to vector<512x512xf32>
    %convert_element_type3A_652 = arith.truncf %slice3A_649 : vector<156x512xf32> to vector<156x512xbf16>
    %convert_element_type3A_653 = arith.truncf %squeeze3A_651 : vector<512x512xf32> to vector<512x512xbf16>
    %dot_general3A_654 = arith.constant dense<0.000000e+00> : vector<156x512xf32>
    %dot_general3A_655 = tpu.matmul %convert_element_type3A_652, %convert_element_type3A_653, %dot_general3A_654 {dimension_numbers = #tpu.dot_dimension_numbers<[1], [0], [0], [1], [0, 0, 1, 1], [], []>, transpose_lhs_hint = false} : vector<156x512xbf16>, vector<512x512xbf16>, vector<156x512xf32> -> vector<156x512xf32>
    %slice3A_656 = vector.extract_strided_slice %max3A_166 {offsets = [0, 0], sizes = [156, 512], strides = [1, 1]} : vector<157x512xf32> to vector<156x512xf32>
    %slice3A_657 = vector.extract_strided_slice %get3A_170 {offsets = [1, 0, 0], sizes = [1, 512, 512], strides = [1, 1, 1]} : vector<8x512x512xf32> to vector<1x512x512xf32>
    %squeeze3A_658 = vector.shape_cast %slice3A_657 : vector<1x512x512xf32> to vector<512x512xf32>
    %convert_element_type3A_659 = arith.truncf %slice3A_656 : vector<156x512xf32> to vector<156x512xbf16>
    %convert_element_type3A_660 = arith.truncf %squeeze3A_658 : vector<512x512xf32> to vector<512x512xbf16>
    %dot_general3A_661 = arith.constant dense<0.000000e+00> : vector<156x512xf32>
    %dot_general3A_662 = tpu.matmul %convert_element_type3A_659, %convert_element_type3A_660, %dot_general3A_661 {dimension_numbers = #tpu.dot_dimension_numbers<[1], [0], [0], [1], [0, 0, 1, 1], [], []>, transpose_lhs_hint = false} : vector<156x512xbf16>, vector<512x512xbf16>, vector<156x512xf32> -> vector<156x512xf32>
    %add3A_663 = arith.addf %dot_general3A_655, %dot_general3A_662 : vector<156x512xf32>
    %slice3A_664 = vector.extract_strided_slice %max3A_15 {offsets = [1, 0], sizes = [156, 512], strides = [1, 1]} : vector<157x512xf32> to vector<156x512xf32>
    %slice3A_665 = vector.extract_strided_slice %get3A_170 {offsets = [2, 0, 0], sizes = [1, 512, 512], strides = [1, 1, 1]} : vector<8x512x512xf32> to vector<1x512x512xf32>
    %squeeze3A_666 = vector.shape_cast %slice3A_665 : vector<1x512x512xf32> to vector<512x512xf32>
    %convert_element_type3A_667 = arith.truncf %slice3A_664 : vector<156x512xf32> to vector<156x512xbf16>
    %convert_element_type3A_668 = arith.truncf %squeeze3A_666 : vector<512x512xf32> to vector<512x512xbf16>
    %dot_general3A_669 = arith.constant dense<0.000000e+00> : vector<156x512xf32>
    %dot_general3A_670 = tpu.matmul %convert_element_type3A_667, %convert_element_type3A_668, %dot_general3A_669 {dimension_numbers = #tpu.dot_dimension_numbers<[1], [0], [0], [1], [0, 0, 1, 1], [], []>, transpose_lhs_hint = false} : vector<156x512xbf16>, vector<512x512xbf16>, vector<156x512xf32> -> vector<156x512xf32>
    %add3A_671 = arith.addf %add3A_663, %dot_general3A_670 : vector<156x512xf32>
    %slice3A_672 = vector.extract_strided_slice %max3A_25 {offsets = [1, 0], sizes = [156, 512], strides = [1, 1]} : vector<157x512xf32> to vector<156x512xf32>
    %slice3A_673 = vector.extract_strided_slice %get3A_170 {offsets = [3, 0, 0], sizes = [1, 512, 512], strides = [1, 1, 1]} : vector<8x512x512xf32> to vector<1x512x512xf32>
    %squeeze3A_674 = vector.shape_cast %slice3A_673 : vector<1x512x512xf32> to vector<512x512xf32>
    %convert_element_type3A_675 = arith.truncf %slice3A_672 : vector<156x512xf32> to vector<156x512xbf16>
    %convert_element_type3A_676 = arith.truncf %squeeze3A_674 : vector<512x512xf32> to vector<512x512xbf16>
    %dot_general3A_677 = arith.constant dense<0.000000e+00> : vector<156x512xf32>
    %dot_general3A_678 = tpu.matmul %convert_element_type3A_675, %convert_element_type3A_676, %dot_general3A_677 {dimension_numbers = #tpu.dot_dimension_numbers<[1], [0], [0], [1], [0, 0, 1, 1], [], []>, transpose_lhs_hint = false} : vector<156x512xbf16>, vector<512x512xbf16>, vector<156x512xf32> -> vector<156x512xf32>
    %add3A_679 = arith.addf %add3A_671, %dot_general3A_678 : vector<156x512xf32>
    %slice3A_680 = vector.extract_strided_slice %max3A_35 {offsets = [1, 0], sizes = [156, 512], strides = [1, 1]} : vector<157x512xf32> to vector<156x512xf32>
    %slice3A_681 = vector.extract_strided_slice %get3A_170 {offsets = [4, 0, 0], sizes = [1, 512, 512], strides = [1, 1, 1]} : vector<8x512x512xf32> to vector<1x512x512xf32>
    %squeeze3A_682 = vector.shape_cast %slice3A_681 : vector<1x512x512xf32> to vector<512x512xf32>
    %convert_element_type3A_683 = arith.truncf %slice3A_680 : vector<156x512xf32> to vector<156x512xbf16>
    %convert_element_type3A_684 = arith.truncf %squeeze3A_682 : vector<512x512xf32> to vector<512x512xbf16>
    %dot_general3A_685 = arith.constant dense<0.000000e+00> : vector<156x512xf32>
    %dot_general3A_686 = tpu.matmul %convert_element_type3A_683, %convert_element_type3A_684, %dot_general3A_685 {dimension_numbers = #tpu.dot_dimension_numbers<[1], [0], [0], [1], [0, 0, 1, 1], [], []>, transpose_lhs_hint = false} : vector<156x512xbf16>, vector<512x512xbf16>, vector<156x512xf32> -> vector<156x512xf32>
    %add3A_687 = arith.addf %add3A_679, %dot_general3A_686 : vector<156x512xf32>
    %slice3A_688 = vector.extract_strided_slice %max3A_45 {offsets = [1, 0], sizes = [156, 512], strides = [1, 1]} : vector<157x512xf32> to vector<156x512xf32>
    %slice3A_689 = vector.extract_strided_slice %get3A_170 {offsets = [5, 0, 0], sizes = [1, 512, 512], strides = [1, 1, 1]} : vector<8x512x512xf32> to vector<1x512x512xf32>
    %squeeze3A_690 = vector.shape_cast %slice3A_689 : vector<1x512x512xf32> to vector<512x512xf32>
    %convert_element_type3A_691 = arith.truncf %slice3A_688 : vector<156x512xf32> to vector<156x512xbf16>
    %convert_element_type3A_692 = arith.truncf %squeeze3A_690 : vector<512x512xf32> to vector<512x512xbf16>
    %dot_general3A_693 = arith.constant dense<0.000000e+00> : vector<156x512xf32>
    %dot_general3A_694 = tpu.matmul %convert_element_type3A_691, %convert_element_type3A_692, %dot_general3A_693 {dimension_numbers = #tpu.dot_dimension_numbers<[1], [0], [0], [1], [0, 0, 1, 1], [], []>, transpose_lhs_hint = false} : vector<156x512xbf16>, vector<512x512xbf16>, vector<156x512xf32> -> vector<156x512xf32>
    %add3A_695 = arith.addf %add3A_687, %dot_general3A_694 : vector<156x512xf32>
    %slice3A_696 = vector.extract_strided_slice %max3A_55 {offsets = [1, 0], sizes = [156, 512], strides = [1, 1]} : vector<157x512xf32> to vector<156x512xf32>
    %slice3A_697 = vector.extract_strided_slice %get3A_170 {offsets = [6, 0, 0], sizes = [1, 512, 512], strides = [1, 1, 1]} : vector<8x512x512xf32> to vector<1x512x512xf32>
    %squeeze3A_698 = vector.shape_cast %slice3A_697 : vector<1x512x512xf32> to vector<512x512xf32>
    %convert_element_type3A_699 = arith.truncf %slice3A_696 : vector<156x512xf32> to vector<156x512xbf16>
    %convert_element_type3A_700 = arith.truncf %squeeze3A_698 : vector<512x512xf32> to vector<512x512xbf16>
    %dot_general3A_701 = arith.constant dense<0.000000e+00> : vector<156x512xf32>
    %dot_general3A_702 = tpu.matmul %convert_element_type3A_699, %convert_element_type3A_700, %dot_general3A_701 {dimension_numbers = #tpu.dot_dimension_numbers<[1], [0], [0], [1], [0, 0, 1, 1], [], []>, transpose_lhs_hint = false} : vector<156x512xbf16>, vector<512x512xbf16>, vector<156x512xf32> -> vector<156x512xf32>
    %add3A_703 = arith.addf %add3A_695, %dot_general3A_702 : vector<156x512xf32>
    %slice3A_704 = vector.extract_strided_slice %max3A_65 {offsets = [1, 0], sizes = [156, 512], strides = [1, 1]} : vector<157x512xf32> to vector<156x512xf32>
    %slice3A_705 = vector.extract_strided_slice %get3A_170 {offsets = [7, 0, 0], sizes = [1, 512, 512], strides = [1, 1, 1]} : vector<8x512x512xf32> to vector<1x512x512xf32>
    %squeeze3A_706 = vector.shape_cast %slice3A_705 : vector<1x512x512xf32> to vector<512x512xf32>
    %convert_element_type3A_707 = arith.truncf %slice3A_704 : vector<156x512xf32> to vector<156x512xbf16>
    %convert_element_type3A_708 = arith.truncf %squeeze3A_706 : vector<512x512xf32> to vector<512x512xbf16>
    %dot_general3A_709 = arith.constant dense<0.000000e+00> : vector<156x512xf32>
    %dot_general3A_710 = tpu.matmul %convert_element_type3A_707, %convert_element_type3A_708, %dot_general3A_709 {dimension_numbers = #tpu.dot_dimension_numbers<[1], [0], [0], [1], [0, 0, 1, 1], [], []>, transpose_lhs_hint = false} : vector<156x512xbf16>, vector<512x512xbf16>, vector<156x512xf32> -> vector<156x512xf32>
    %add3A_711 = arith.addf %add3A_703, %dot_general3A_710 : vector<156x512xf32>
    %add3A_712 = vector.broadcast %get3A_173 : vector<1x512xf32> to vector<156x512xf32>
    %add3A_713 = arith.addf %add3A_711, %add3A_712 : vector<156x512xf32>
    %max3A_714 = arith.constant 0.000000e+00 : f32
    %max3A_715 = vector.broadcast %max3A_714 : f32 to vector<156x512xf32>
    %max3A_716 = arith.maximumf %add3A_713, %max3A_715 : vector<156x512xf32>
    %get3A_717 = arith.constant 0 : index
    %get3A_718 = arith.constant 0 : index
    %get3A_719 = arith.constant 0 : index
    %get3A_720 = vector.load %arg7[%get3A_717, %get3A_718, %get3A_719] : memref<4x512x512xf32, #tpu.memory_space<vmem>>, vector<4x512x512xf32>
    %get3A_721 = arith.constant 0 : index
    %get3A_722 = arith.constant 0 : index
    %get3A_723 = vector.load %arg8[%get3A_721, %get3A_722] : memref<1x512xf32, #tpu.memory_space<vmem>>, vector<1x512xf32>
    %slice3A_724 = vector.extract_strided_slice %max3A_240 {offsets = [0, 0], sizes = [155, 512], strides = [1, 1]} : vector<156x512xf32> to vector<155x512xf32>
    %slice3A_725 = vector.extract_strided_slice %get3A_720 {offsets = [0, 0, 0], sizes = [1, 512, 512], strides = [1, 1, 1]} : vector<4x512x512xf32> to vector<1x512x512xf32>
    %squeeze3A_726 = vector.shape_cast %slice3A_725 : vector<1x512x512xf32> to vector<512x512xf32>
    %convert_element_type3A_727 = arith.truncf %slice3A_724 : vector<155x512xf32> to vector<155x512xbf16>
    %convert_element_type3A_728 = arith.truncf %squeeze3A_726 : vector<512x512xf32> to vector<512x512xbf16>
    %dot_general3A_729 = arith.constant dense<0.000000e+00> : vector<155x512xf32>
    %dot_general3A_730 = tpu.matmul %convert_element_type3A_727, %convert_element_type3A_728, %dot_general3A_729 {dimension_numbers = #tpu.dot_dimension_numbers<[1], [0], [0], [1], [0, 0, 1, 1], [], []>, transpose_lhs_hint = false} : vector<155x512xbf16>, vector<512x512xbf16>, vector<155x512xf32> -> vector<155x512xf32>
    %slice3A_731 = vector.extract_strided_slice %max3A_308 {offsets = [0, 0], sizes = [155, 512], strides = [1, 1]} : vector<156x512xf32> to vector<155x512xf32>
    %slice3A_732 = vector.extract_strided_slice %get3A_720 {offsets = [1, 0, 0], sizes = [1, 512, 512], strides = [1, 1, 1]} : vector<4x512x512xf32> to vector<1x512x512xf32>
    %squeeze3A_733 = vector.shape_cast %slice3A_732 : vector<1x512x512xf32> to vector<512x512xf32>
    %convert_element_type3A_734 = arith.truncf %slice3A_731 : vector<155x512xf32> to vector<155x512xbf16>
    %convert_element_type3A_735 = arith.truncf %squeeze3A_733 : vector<512x512xf32> to vector<512x512xbf16>
    %dot_general3A_736 = arith.constant dense<0.000000e+00> : vector<155x512xf32>
    %dot_general3A_737 = tpu.matmul %convert_element_type3A_734, %convert_element_type3A_735, %dot_general3A_736 {dimension_numbers = #tpu.dot_dimension_numbers<[1], [0], [0], [1], [0, 0, 1, 1], [], []>, transpose_lhs_hint = false} : vector<155x512xbf16>, vector<512x512xbf16>, vector<155x512xf32> -> vector<155x512xf32>
    %add3A_738 = arith.addf %dot_general3A_730, %dot_general3A_737 : vector<155x512xf32>
    %slice3A_739 = vector.extract_strided_slice %max3A_376 {offsets = [0, 0], sizes = [155, 512], strides = [1, 1]} : vector<156x512xf32> to vector<155x512xf32>
    %slice3A_740 = vector.extract_strided_slice %get3A_720 {offsets = [2, 0, 0], sizes = [1, 512, 512], strides = [1, 1, 1]} : vector<4x512x512xf32> to vector<1x512x512xf32>
    %squeeze3A_741 = vector.shape_cast %slice3A_740 : vector<1x512x512xf32> to vector<512x512xf32>
    %convert_element_type3A_742 = arith.truncf %slice3A_739 : vector<155x512xf32> to vector<155x512xbf16>
    %convert_element_type3A_743 = arith.truncf %squeeze3A_741 : vector<512x512xf32> to vector<512x512xbf16>
    %dot_general3A_744 = arith.constant dense<0.000000e+00> : vector<155x512xf32>
    %dot_general3A_745 = tpu.matmul %convert_element_type3A_742, %convert_element_type3A_743, %dot_general3A_744 {dimension_numbers = #tpu.dot_dimension_numbers<[1], [0], [0], [1], [0, 0, 1, 1], [], []>, transpose_lhs_hint = false} : vector<155x512xbf16>, vector<512x512xbf16>, vector<155x512xf32> -> vector<155x512xf32>
    %add3A_746 = arith.addf %add3A_738, %dot_general3A_745 : vector<155x512xf32>
    %slice3A_747 = vector.extract_strided_slice %max3A_444 {offsets = [0, 0], sizes = [155, 512], strides = [1, 1]} : vector<156x512xf32> to vector<155x512xf32>
    %slice3A_748 = vector.extract_strided_slice %get3A_720 {offsets = [3, 0, 0], sizes = [1, 512, 512], strides = [1, 1, 1]} : vector<4x512x512xf32> to vector<1x512x512xf32>
    %squeeze3A_749 = vector.shape_cast %slice3A_748 : vector<1x512x512xf32> to vector<512x512xf32>
    %convert_element_type3A_750 = arith.truncf %slice3A_747 : vector<155x512xf32> to vector<155x512xbf16>
    %convert_element_type3A_751 = arith.truncf %squeeze3A_749 : vector<512x512xf32> to vector<512x512xbf16>
    %dot_general3A_752 = arith.constant dense<0.000000e+00> : vector<155x512xf32>
    %dot_general3A_753 = tpu.matmul %convert_element_type3A_750, %convert_element_type3A_751, %dot_general3A_752 {dimension_numbers = #tpu.dot_dimension_numbers<[1], [0], [0], [1], [0, 0, 1, 1], [], []>, transpose_lhs_hint = false} : vector<155x512xbf16>, vector<512x512xbf16>, vector<155x512xf32> -> vector<155x512xf32>
    %add3A_754 = arith.addf %add3A_746, %dot_general3A_753 : vector<155x512xf32>
    %add3A_755 = vector.broadcast %get3A_723 : vector<1x512xf32> to vector<155x512xf32>
    %add3A_756 = arith.addf %add3A_754, %add3A_755 : vector<155x512xf32>
    %max3A_757 = arith.constant 0.000000e+00 : f32
    %max3A_758 = vector.broadcast %max3A_757 : f32 to vector<155x512xf32>
    %max3A_759 = arith.maximumf %add3A_756, %max3A_758 : vector<155x512xf32>
    %slice3A_760 = vector.extract_strided_slice %max3A_376 {offsets = [0, 0], sizes = [155, 512], strides = [1, 1]} : vector<156x512xf32> to vector<155x512xf32>
    %slice3A_761 = vector.extract_strided_slice %get3A_720 {offsets = [0, 0, 0], sizes = [1, 512, 512], strides = [1, 1, 1]} : vector<4x512x512xf32> to vector<1x512x512xf32>
    %squeeze3A_762 = vector.shape_cast %slice3A_761 : vector<1x512x512xf32> to vector<512x512xf32>
    %convert_element_type3A_763 = arith.truncf %slice3A_760 : vector<155x512xf32> to vector<155x512xbf16>
    %convert_element_type3A_764 = arith.truncf %squeeze3A_762 : vector<512x512xf32> to vector<512x512xbf16>
    %dot_general3A_765 = arith.constant dense<0.000000e+00> : vector<155x512xf32>
    %dot_general3A_766 = tpu.matmul %convert_element_type3A_763, %convert_element_type3A_764, %dot_general3A_765 {dimension_numbers = #tpu.dot_dimension_numbers<[1], [0], [0], [1], [0, 0, 1, 1], [], []>, transpose_lhs_hint = false} : vector<155x512xbf16>, vector<512x512xbf16>, vector<155x512xf32> -> vector<155x512xf32>
    %slice3A_767 = vector.extract_strided_slice %max3A_444 {offsets = [0, 0], sizes = [155, 512], strides = [1, 1]} : vector<156x512xf32> to vector<155x512xf32>
    %slice3A_768 = vector.extract_strided_slice %get3A_720 {offsets = [1, 0, 0], sizes = [1, 512, 512], strides = [1, 1, 1]} : vector<4x512x512xf32> to vector<1x512x512xf32>
    %squeeze3A_769 = vector.shape_cast %slice3A_768 : vector<1x512x512xf32> to vector<512x512xf32>
    %convert_element_type3A_770 = arith.truncf %slice3A_767 : vector<155x512xf32> to vector<155x512xbf16>
    %convert_element_type3A_771 = arith.truncf %squeeze3A_769 : vector<512x512xf32> to vector<512x512xbf16>
    %dot_general3A_772 = arith.constant dense<0.000000e+00> : vector<155x512xf32>
    %dot_general3A_773 = tpu.matmul %convert_element_type3A_770, %convert_element_type3A_771, %dot_general3A_772 {dimension_numbers = #tpu.dot_dimension_numbers<[1], [0], [0], [1], [0, 0, 1, 1], [], []>, transpose_lhs_hint = false} : vector<155x512xbf16>, vector<512x512xbf16>, vector<155x512xf32> -> vector<155x512xf32>
    %add3A_774 = arith.addf %dot_general3A_766, %dot_general3A_773 : vector<155x512xf32>
    %slice3A_775 = vector.extract_strided_slice %max3A_512 {offsets = [0, 0], sizes = [155, 512], strides = [1, 1]} : vector<156x512xf32> to vector<155x512xf32>
    %slice3A_776 = vector.extract_strided_slice %get3A_720 {offsets = [2, 0, 0], sizes = [1, 512, 512], strides = [1, 1, 1]} : vector<4x512x512xf32> to vector<1x512x512xf32>
    %squeeze3A_777 = vector.shape_cast %slice3A_776 : vector<1x512x512xf32> to vector<512x512xf32>
    %convert_element_type3A_778 = arith.truncf %slice3A_775 : vector<155x512xf32> to vector<155x512xbf16>
    %convert_element_type3A_779 = arith.truncf %squeeze3A_777 : vector<512x512xf32> to vector<512x512xbf16>
    %dot_general3A_780 = arith.constant dense<0.000000e+00> : vector<155x512xf32>
    %dot_general3A_781 = tpu.matmul %convert_element_type3A_778, %convert_element_type3A_779, %dot_general3A_780 {dimension_numbers = #tpu.dot_dimension_numbers<[1], [0], [0], [1], [0, 0, 1, 1], [], []>, transpose_lhs_hint = false} : vector<155x512xbf16>, vector<512x512xbf16>, vector<155x512xf32> -> vector<155x512xf32>
    %add3A_782 = arith.addf %add3A_774, %dot_general3A_781 : vector<155x512xf32>
    %slice3A_783 = vector.extract_strided_slice %max3A_580 {offsets = [0, 0], sizes = [155, 512], strides = [1, 1]} : vector<156x512xf32> to vector<155x512xf32>
    %slice3A_784 = vector.extract_strided_slice %get3A_720 {offsets = [3, 0, 0], sizes = [1, 512, 512], strides = [1, 1, 1]} : vector<4x512x512xf32> to vector<1x512x512xf32>
    %squeeze3A_785 = vector.shape_cast %slice3A_784 : vector<1x512x512xf32> to vector<512x512xf32>
    %convert_element_type3A_786 = arith.truncf %slice3A_783 : vector<155x512xf32> to vector<155x512xbf16>
    %convert_element_type3A_787 = arith.truncf %squeeze3A_785 : vector<512x512xf32> to vector<512x512xbf16>
    %dot_general3A_788 = arith.constant dense<0.000000e+00> : vector<155x512xf32>
    %dot_general3A_789 = tpu.matmul %convert_element_type3A_786, %convert_element_type3A_787, %dot_general3A_788 {dimension_numbers = #tpu.dot_dimension_numbers<[1], [0], [0], [1], [0, 0, 1, 1], [], []>, transpose_lhs_hint = false} : vector<155x512xbf16>, vector<512x512xbf16>, vector<155x512xf32> -> vector<155x512xf32>
    %add3A_790 = arith.addf %add3A_782, %dot_general3A_789 : vector<155x512xf32>
    %add3A_791 = vector.broadcast %get3A_723 : vector<1x512xf32> to vector<155x512xf32>
    %add3A_792 = arith.addf %add3A_790, %add3A_791 : vector<155x512xf32>
    %max3A_793 = arith.constant 0.000000e+00 : f32
    %max3A_794 = vector.broadcast %max3A_793 : f32 to vector<155x512xf32>
    %max3A_795 = arith.maximumf %add3A_792, %max3A_794 : vector<155x512xf32>
    %slice3A_796 = vector.extract_strided_slice %max3A_512 {offsets = [0, 0], sizes = [155, 512], strides = [1, 1]} : vector<156x512xf32> to vector<155x512xf32>
    %slice3A_797 = vector.extract_strided_slice %get3A_720 {offsets = [0, 0, 0], sizes = [1, 512, 512], strides = [1, 1, 1]} : vector<4x512x512xf32> to vector<1x512x512xf32>
    %squeeze3A_798 = vector.shape_cast %slice3A_797 : vector<1x512x512xf32> to vector<512x512xf32>
    %convert_element_type3A_799 = arith.truncf %slice3A_796 : vector<155x512xf32> to vector<155x512xbf16>
    %convert_element_type3A_800 = arith.truncf %squeeze3A_798 : vector<512x512xf32> to vector<512x512xbf16>
    %dot_general3A_801 = arith.constant dense<0.000000e+00> : vector<155x512xf32>
    %dot_general3A_802 = tpu.matmul %convert_element_type3A_799, %convert_element_type3A_800, %dot_general3A_801 {dimension_numbers = #tpu.dot_dimension_numbers<[1], [0], [0], [1], [0, 0, 1, 1], [], []>, transpose_lhs_hint = false} : vector<155x512xbf16>, vector<512x512xbf16>, vector<155x512xf32> -> vector<155x512xf32>
    %slice3A_803 = vector.extract_strided_slice %max3A_580 {offsets = [0, 0], sizes = [155, 512], strides = [1, 1]} : vector<156x512xf32> to vector<155x512xf32>
    %slice3A_804 = vector.extract_strided_slice %get3A_720 {offsets = [1, 0, 0], sizes = [1, 512, 512], strides = [1, 1, 1]} : vector<4x512x512xf32> to vector<1x512x512xf32>
    %squeeze3A_805 = vector.shape_cast %slice3A_804 : vector<1x512x512xf32> to vector<512x512xf32>
    %convert_element_type3A_806 = arith.truncf %slice3A_803 : vector<155x512xf32> to vector<155x512xbf16>
    %convert_element_type3A_807 = arith.truncf %squeeze3A_805 : vector<512x512xf32> to vector<512x512xbf16>
    %dot_general3A_808 = arith.constant dense<0.000000e+00> : vector<155x512xf32>
    %dot_general3A_809 = tpu.matmul %convert_element_type3A_806, %convert_element_type3A_807, %dot_general3A_808 {dimension_numbers = #tpu.dot_dimension_numbers<[1], [0], [0], [1], [0, 0, 1, 1], [], []>, transpose_lhs_hint = false} : vector<155x512xbf16>, vector<512x512xbf16>, vector<155x512xf32> -> vector<155x512xf32>
    %add3A_810 = arith.addf %dot_general3A_802, %dot_general3A_809 : vector<155x512xf32>
    %slice3A_811 = vector.extract_strided_slice %max3A_648 {offsets = [0, 0], sizes = [155, 512], strides = [1, 1]} : vector<156x512xf32> to vector<155x512xf32>
    %slice3A_812 = vector.extract_strided_slice %get3A_720 {offsets = [2, 0, 0], sizes = [1, 512, 512], strides = [1, 1, 1]} : vector<4x512x512xf32> to vector<1x512x512xf32>
    %squeeze3A_813 = vector.shape_cast %slice3A_812 : vector<1x512x512xf32> to vector<512x512xf32>
    %convert_element_type3A_814 = arith.truncf %slice3A_811 : vector<155x512xf32> to vector<155x512xbf16>
    %convert_element_type3A_815 = arith.truncf %squeeze3A_813 : vector<512x512xf32> to vector<512x512xbf16>
    %dot_general3A_816 = arith.constant dense<0.000000e+00> : vector<155x512xf32>
    %dot_general3A_817 = tpu.matmul %convert_element_type3A_814, %convert_element_type3A_815, %dot_general3A_816 {dimension_numbers = #tpu.dot_dimension_numbers<[1], [0], [0], [1], [0, 0, 1, 1], [], []>, transpose_lhs_hint = false} : vector<155x512xbf16>, vector<512x512xbf16>, vector<155x512xf32> -> vector<155x512xf32>
    %add3A_818 = arith.addf %add3A_810, %dot_general3A_817 : vector<155x512xf32>
    %slice3A_819 = vector.extract_strided_slice %max3A_716 {offsets = [0, 0], sizes = [155, 512], strides = [1, 1]} : vector<156x512xf32> to vector<155x512xf32>
    %slice3A_820 = vector.extract_strided_slice %get3A_720 {offsets = [3, 0, 0], sizes = [1, 512, 512], strides = [1, 1, 1]} : vector<4x512x512xf32> to vector<1x512x512xf32>
    %squeeze3A_821 = vector.shape_cast %slice3A_820 : vector<1x512x512xf32> to vector<512x512xf32>
    %convert_element_type3A_822 = arith.truncf %slice3A_819 : vector<155x512xf32> to vector<155x512xbf16>
    %convert_element_type3A_823 = arith.truncf %squeeze3A_821 : vector<512x512xf32> to vector<512x512xbf16>
    %dot_general3A_824 = arith.constant dense<0.000000e+00> : vector<155x512xf32>
    %dot_general3A_825 = tpu.matmul %convert_element_type3A_822, %convert_element_type3A_823, %dot_general3A_824 {dimension_numbers = #tpu.dot_dimension_numbers<[1], [0], [0], [1], [0, 0, 1, 1], [], []>, transpose_lhs_hint = false} : vector<155x512xbf16>, vector<512x512xbf16>, vector<155x512xf32> -> vector<155x512xf32>
    %add3A_826 = arith.addf %add3A_818, %dot_general3A_825 : vector<155x512xf32>
    %add3A_827 = vector.broadcast %get3A_723 : vector<1x512xf32> to vector<155x512xf32>
    %add3A_828 = arith.addf %add3A_826, %add3A_827 : vector<155x512xf32>
    %max3A_829 = arith.constant 0.000000e+00 : f32
    %max3A_830 = vector.broadcast %max3A_829 : f32 to vector<155x512xf32>
    %max3A_831 = arith.maximumf %add3A_828, %max3A_830 : vector<155x512xf32>
    %slice3A_832 = vector.extract_strided_slice %max3A_648 {offsets = [0, 0], sizes = [155, 512], strides = [1, 1]} : vector<156x512xf32> to vector<155x512xf32>
    %slice3A_833 = vector.extract_strided_slice %get3A_720 {offsets = [0, 0, 0], sizes = [1, 512, 512], strides = [1, 1, 1]} : vector<4x512x512xf32> to vector<1x512x512xf32>
    %squeeze3A_834 = vector.shape_cast %slice3A_833 : vector<1x512x512xf32> to vector<512x512xf32>
    %convert_element_type3A_835 = arith.truncf %slice3A_832 : vector<155x512xf32> to vector<155x512xbf16>
    %convert_element_type3A_836 = arith.truncf %squeeze3A_834 : vector<512x512xf32> to vector<512x512xbf16>
    %dot_general3A_837 = arith.constant dense<0.000000e+00> : vector<155x512xf32>
    %dot_general3A_838 = tpu.matmul %convert_element_type3A_835, %convert_element_type3A_836, %dot_general3A_837 {dimension_numbers = #tpu.dot_dimension_numbers<[1], [0], [0], [1], [0, 0, 1, 1], [], []>, transpose_lhs_hint = false} : vector<155x512xbf16>, vector<512x512xbf16>, vector<155x512xf32> -> vector<155x512xf32>
    %slice3A_839 = vector.extract_strided_slice %max3A_716 {offsets = [0, 0], sizes = [155, 512], strides = [1, 1]} : vector<156x512xf32> to vector<155x512xf32>
    %slice3A_840 = vector.extract_strided_slice %get3A_720 {offsets = [1, 0, 0], sizes = [1, 512, 512], strides = [1, 1, 1]} : vector<4x512x512xf32> to vector<1x512x512xf32>
    %squeeze3A_841 = vector.shape_cast %slice3A_840 : vector<1x512x512xf32> to vector<512x512xf32>
    %convert_element_type3A_842 = arith.truncf %slice3A_839 : vector<155x512xf32> to vector<155x512xbf16>
    %convert_element_type3A_843 = arith.truncf %squeeze3A_841 : vector<512x512xf32> to vector<512x512xbf16>
    %dot_general3A_844 = arith.constant dense<0.000000e+00> : vector<155x512xf32>
    %dot_general3A_845 = tpu.matmul %convert_element_type3A_842, %convert_element_type3A_843, %dot_general3A_844 {dimension_numbers = #tpu.dot_dimension_numbers<[1], [0], [0], [1], [0, 0, 1, 1], [], []>, transpose_lhs_hint = false} : vector<155x512xbf16>, vector<512x512xbf16>, vector<155x512xf32> -> vector<155x512xf32>
    %add3A_846 = arith.addf %dot_general3A_838, %dot_general3A_845 : vector<155x512xf32>
    %slice3A_847 = vector.extract_strided_slice %max3A_240 {offsets = [1, 0], sizes = [155, 512], strides = [1, 1]} : vector<156x512xf32> to vector<155x512xf32>
    %slice3A_848 = vector.extract_strided_slice %get3A_720 {offsets = [2, 0, 0], sizes = [1, 512, 512], strides = [1, 1, 1]} : vector<4x512x512xf32> to vector<1x512x512xf32>
    %squeeze3A_849 = vector.shape_cast %slice3A_848 : vector<1x512x512xf32> to vector<512x512xf32>
    %convert_element_type3A_850 = arith.truncf %slice3A_847 : vector<155x512xf32> to vector<155x512xbf16>
    %convert_element_type3A_851 = arith.truncf %squeeze3A_849 : vector<512x512xf32> to vector<512x512xbf16>
    %dot_general3A_852 = arith.constant dense<0.000000e+00> : vector<155x512xf32>
    %dot_general3A_853 = tpu.matmul %convert_element_type3A_850, %convert_element_type3A_851, %dot_general3A_852 {dimension_numbers = #tpu.dot_dimension_numbers<[1], [0], [0], [1], [0, 0, 1, 1], [], []>, transpose_lhs_hint = false} : vector<155x512xbf16>, vector<512x512xbf16>, vector<155x512xf32> -> vector<155x512xf32>
    %add3A_854 = arith.addf %add3A_846, %dot_general3A_853 : vector<155x512xf32>
    %slice3A_855 = vector.extract_strided_slice %max3A_308 {offsets = [1, 0], sizes = [155, 512], strides = [1, 1]} : vector<156x512xf32> to vector<155x512xf32>
    %slice3A_856 = vector.extract_strided_slice %get3A_720 {offsets = [3, 0, 0], sizes = [1, 512, 512], strides = [1, 1, 1]} : vector<4x512x512xf32> to vector<1x512x512xf32>
    %squeeze3A_857 = vector.shape_cast %slice3A_856 : vector<1x512x512xf32> to vector<512x512xf32>
    %convert_element_type3A_858 = arith.truncf %slice3A_855 : vector<155x512xf32> to vector<155x512xbf16>
    %convert_element_type3A_859 = arith.truncf %squeeze3A_857 : vector<512x512xf32> to vector<512x512xbf16>
    %dot_general3A_860 = arith.constant dense<0.000000e+00> : vector<155x512xf32>
    %dot_general3A_861 = tpu.matmul %convert_element_type3A_858, %convert_element_type3A_859, %dot_general3A_860 {dimension_numbers = #tpu.dot_dimension_numbers<[1], [0], [0], [1], [0, 0, 1, 1], [], []>, transpose_lhs_hint = false} : vector<155x512xbf16>, vector<512x512xbf16>, vector<155x512xf32> -> vector<155x512xf32>
    %add3A_862 = arith.addf %add3A_854, %dot_general3A_861 : vector<155x512xf32>
    %add3A_863 = vector.broadcast %get3A_723 : vector<1x512xf32> to vector<155x512xf32>
    %add3A_864 = arith.addf %add3A_862, %add3A_863 : vector<155x512xf32>
    %max3A_865 = arith.constant 0.000000e+00 : f32
    %max3A_866 = vector.broadcast %max3A_865 : f32 to vector<155x512xf32>
    %max3A_867 = arith.maximumf %add3A_864, %max3A_866 : vector<155x512xf32>
    %get3A_868 = arith.constant 0 : index
    %get3A_869 = arith.constant 0 : index
    %get3A_870 = arith.constant 0 : index
    %get3A_871 = vector.load %arg9[%get3A_868, %get3A_869, %get3A_870] : memref<4x512x512xf32, #tpu.memory_space<vmem>>, vector<4x512x512xf32>
    %get3A_872 = arith.constant 0 : index
    %get3A_873 = arith.constant 0 : index
    %get3A_874 = vector.load %arg10[%get3A_872, %get3A_873] : memref<1x512xf32, #tpu.memory_space<vmem>>, vector<1x512xf32>
    %slice3A_875 = vector.extract_strided_slice %max3A_759 {offsets = [0, 0], sizes = [154, 512], strides = [1, 1]} : vector<155x512xf32> to vector<154x512xf32>
    %slice3A_876 = vector.extract_strided_slice %get3A_871 {offsets = [0, 0, 0], sizes = [1, 512, 512], strides = [1, 1, 1]} : vector<4x512x512xf32> to vector<1x512x512xf32>
    %squeeze3A_877 = vector.shape_cast %slice3A_876 : vector<1x512x512xf32> to vector<512x512xf32>
    %convert_element_type3A_878 = arith.truncf %slice3A_875 : vector<154x512xf32> to vector<154x512xbf16>
    %convert_element_type3A_879 = arith.truncf %squeeze3A_877 : vector<512x512xf32> to vector<512x512xbf16>
    %dot_general3A_880 = arith.constant dense<0.000000e+00> : vector<154x512xf32>
    %dot_general3A_881 = tpu.matmul %convert_element_type3A_878, %convert_element_type3A_879, %dot_general3A_880 {dimension_numbers = #tpu.dot_dimension_numbers<[1], [0], [0], [1], [0, 0, 1, 1], [], []>, transpose_lhs_hint = false} : vector<154x512xbf16>, vector<512x512xbf16>, vector<154x512xf32> -> vector<154x512xf32>
    %slice3A_882 = vector.extract_strided_slice %max3A_795 {offsets = [0, 0], sizes = [154, 512], strides = [1, 1]} : vector<155x512xf32> to vector<154x512xf32>
    %slice3A_883 = vector.extract_strided_slice %get3A_871 {offsets = [1, 0, 0], sizes = [1, 512, 512], strides = [1, 1, 1]} : vector<4x512x512xf32> to vector<1x512x512xf32>
    %squeeze3A_884 = vector.shape_cast %slice3A_883 : vector<1x512x512xf32> to vector<512x512xf32>
    %convert_element_type3A_885 = arith.truncf %slice3A_882 : vector<154x512xf32> to vector<154x512xbf16>
    %convert_element_type3A_886 = arith.truncf %squeeze3A_884 : vector<512x512xf32> to vector<512x512xbf16>
    %dot_general3A_887 = arith.constant dense<0.000000e+00> : vector<154x512xf32>
    %dot_general3A_888 = tpu.matmul %convert_element_type3A_885, %convert_element_type3A_886, %dot_general3A_887 {dimension_numbers = #tpu.dot_dimension_numbers<[1], [0], [0], [1], [0, 0, 1, 1], [], []>, transpose_lhs_hint = false} : vector<154x512xbf16>, vector<512x512xbf16>, vector<154x512xf32> -> vector<154x512xf32>
    %add3A_889 = arith.addf %dot_general3A_881, %dot_general3A_888 : vector<154x512xf32>
    %slice3A_890 = vector.extract_strided_slice %max3A_831 {offsets = [0, 0], sizes = [154, 512], strides = [1, 1]} : vector<155x512xf32> to vector<154x512xf32>
    %slice3A_891 = vector.extract_strided_slice %get3A_871 {offsets = [2, 0, 0], sizes = [1, 512, 512], strides = [1, 1, 1]} : vector<4x512x512xf32> to vector<1x512x512xf32>
    %squeeze3A_892 = vector.shape_cast %slice3A_891 : vector<1x512x512xf32> to vector<512x512xf32>
    %convert_element_type3A_893 = arith.truncf %slice3A_890 : vector<154x512xf32> to vector<154x512xbf16>
    %convert_element_type3A_894 = arith.truncf %squeeze3A_892 : vector<512x512xf32> to vector<512x512xbf16>
    %dot_general3A_895 = arith.constant dense<0.000000e+00> : vector<154x512xf32>
    %dot_general3A_896 = tpu.matmul %convert_element_type3A_893, %convert_element_type3A_894, %dot_general3A_895 {dimension_numbers = #tpu.dot_dimension_numbers<[1], [0], [0], [1], [0, 0, 1, 1], [], []>, transpose_lhs_hint = false} : vector<154x512xbf16>, vector<512x512xbf16>, vector<154x512xf32> -> vector<154x512xf32>
    %add3A_897 = arith.addf %add3A_889, %dot_general3A_896 : vector<154x512xf32>
    %slice3A_898 = vector.extract_strided_slice %max3A_867 {offsets = [0, 0], sizes = [154, 512], strides = [1, 1]} : vector<155x512xf32> to vector<154x512xf32>
    %slice3A_899 = vector.extract_strided_slice %get3A_871 {offsets = [3, 0, 0], sizes = [1, 512, 512], strides = [1, 1, 1]} : vector<4x512x512xf32> to vector<1x512x512xf32>
    %squeeze3A_900 = vector.shape_cast %slice3A_899 : vector<1x512x512xf32> to vector<512x512xf32>
    %convert_element_type3A_901 = arith.truncf %slice3A_898 : vector<154x512xf32> to vector<154x512xbf16>
    %convert_element_type3A_902 = arith.truncf %squeeze3A_900 : vector<512x512xf32> to vector<512x512xbf16>
    %dot_general3A_903 = arith.constant dense<0.000000e+00> : vector<154x512xf32>
    %dot_general3A_904 = tpu.matmul %convert_element_type3A_901, %convert_element_type3A_902, %dot_general3A_903 {dimension_numbers = #tpu.dot_dimension_numbers<[1], [0], [0], [1], [0, 0, 1, 1], [], []>, transpose_lhs_hint = false} : vector<154x512xbf16>, vector<512x512xbf16>, vector<154x512xf32> -> vector<154x512xf32>
    %add3A_905 = arith.addf %add3A_897, %dot_general3A_904 : vector<154x512xf32>
    %add3A_906 = vector.broadcast %get3A_874 : vector<1x512xf32> to vector<154x512xf32>
    %add3A_907 = arith.addf %add3A_905, %add3A_906 : vector<154x512xf32>
    %max3A_908 = arith.constant 0.000000e+00 : f32
    %max3A_909 = vector.broadcast %max3A_908 : f32 to vector<154x512xf32>
    %max3A_910 = arith.maximumf %add3A_907, %max3A_909 : vector<154x512xf32>
    %slice3A_911 = vector.extract_strided_slice %max3A_831 {offsets = [0, 0], sizes = [154, 512], strides = [1, 1]} : vector<155x512xf32> to vector<154x512xf32>
    %slice3A_912 = vector.extract_strided_slice %get3A_871 {offsets = [0, 0, 0], sizes = [1, 512, 512], strides = [1, 1, 1]} : vector<4x512x512xf32> to vector<1x512x512xf32>
    %squeeze3A_913 = vector.shape_cast %slice3A_912 : vector<1x512x512xf32> to vector<512x512xf32>
    %convert_element_type3A_914 = arith.truncf %slice3A_911 : vector<154x512xf32> to vector<154x512xbf16>
    %convert_element_type3A_915 = arith.truncf %squeeze3A_913 : vector<512x512xf32> to vector<512x512xbf16>
    %dot_general3A_916 = arith.constant dense<0.000000e+00> : vector<154x512xf32>
    %dot_general3A_917 = tpu.matmul %convert_element_type3A_914, %convert_element_type3A_915, %dot_general3A_916 {dimension_numbers = #tpu.dot_dimension_numbers<[1], [0], [0], [1], [0, 0, 1, 1], [], []>, transpose_lhs_hint = false} : vector<154x512xbf16>, vector<512x512xbf16>, vector<154x512xf32> -> vector<154x512xf32>
    %slice3A_918 = vector.extract_strided_slice %max3A_867 {offsets = [0, 0], sizes = [154, 512], strides = [1, 1]} : vector<155x512xf32> to vector<154x512xf32>
    %slice3A_919 = vector.extract_strided_slice %get3A_871 {offsets = [1, 0, 0], sizes = [1, 512, 512], strides = [1, 1, 1]} : vector<4x512x512xf32> to vector<1x512x512xf32>
    %squeeze3A_920 = vector.shape_cast %slice3A_919 : vector<1x512x512xf32> to vector<512x512xf32>
    %convert_element_type3A_921 = arith.truncf %slice3A_918 : vector<154x512xf32> to vector<154x512xbf16>
    %convert_element_type3A_922 = arith.truncf %squeeze3A_920 : vector<512x512xf32> to vector<512x512xbf16>
    %dot_general3A_923 = arith.constant dense<0.000000e+00> : vector<154x512xf32>
    %dot_general3A_924 = tpu.matmul %convert_element_type3A_921, %convert_element_type3A_922, %dot_general3A_923 {dimension_numbers = #tpu.dot_dimension_numbers<[1], [0], [0], [1], [0, 0, 1, 1], [], []>, transpose_lhs_hint = false} : vector<154x512xbf16>, vector<512x512xbf16>, vector<154x512xf32> -> vector<154x512xf32>
    %add3A_925 = arith.addf %dot_general3A_917, %dot_general3A_924 : vector<154x512xf32>
    %slice3A_926 = vector.extract_strided_slice %max3A_759 {offsets = [1, 0], sizes = [154, 512], strides = [1, 1]} : vector<155x512xf32> to vector<154x512xf32>
    %slice3A_927 = vector.extract_strided_slice %get3A_871 {offsets = [2, 0, 0], sizes = [1, 512, 512], strides = [1, 1, 1]} : vector<4x512x512xf32> to vector<1x512x512xf32>
    %squeeze3A_928 = vector.shape_cast %slice3A_927 : vector<1x512x512xf32> to vector<512x512xf32>
    %convert_element_type3A_929 = arith.truncf %slice3A_926 : vector<154x512xf32> to vector<154x512xbf16>
    %convert_element_type3A_930 = arith.truncf %squeeze3A_928 : vector<512x512xf32> to vector<512x512xbf16>
    %dot_general3A_931 = arith.constant dense<0.000000e+00> : vector<154x512xf32>
    %dot_general3A_932 = tpu.matmul %convert_element_type3A_929, %convert_element_type3A_930, %dot_general3A_931 {dimension_numbers = #tpu.dot_dimension_numbers<[1], [0], [0], [1], [0, 0, 1, 1], [], []>, transpose_lhs_hint = false} : vector<154x512xbf16>, vector<512x512xbf16>, vector<154x512xf32> -> vector<154x512xf32>
    %add3A_933 = arith.addf %add3A_925, %dot_general3A_932 : vector<154x512xf32>
    %slice3A_934 = vector.extract_strided_slice %max3A_795 {offsets = [1, 0], sizes = [154, 512], strides = [1, 1]} : vector<155x512xf32> to vector<154x512xf32>
    %slice3A_935 = vector.extract_strided_slice %get3A_871 {offsets = [3, 0, 0], sizes = [1, 512, 512], strides = [1, 1, 1]} : vector<4x512x512xf32> to vector<1x512x512xf32>
    %squeeze3A_936 = vector.shape_cast %slice3A_935 : vector<1x512x512xf32> to vector<512x512xf32>
    %convert_element_type3A_937 = arith.truncf %slice3A_934 : vector<154x512xf32> to vector<154x512xbf16>
    %convert_element_type3A_938 = arith.truncf %squeeze3A_936 : vector<512x512xf32> to vector<512x512xbf16>
    %dot_general3A_939 = arith.constant dense<0.000000e+00> : vector<154x512xf32>
    %dot_general3A_940 = tpu.matmul %convert_element_type3A_937, %convert_element_type3A_938, %dot_general3A_939 {dimension_numbers = #tpu.dot_dimension_numbers<[1], [0], [0], [1], [0, 0, 1, 1], [], []>, transpose_lhs_hint = false} : vector<154x512xbf16>, vector<512x512xbf16>, vector<154x512xf32> -> vector<154x512xf32>
    %add3A_941 = arith.addf %add3A_933, %dot_general3A_940 : vector<154x512xf32>
    %add3A_942 = vector.broadcast %get3A_874 : vector<1x512xf32> to vector<154x512xf32>
    %add3A_943 = arith.addf %add3A_941, %add3A_942 : vector<154x512xf32>
    %max3A_944 = arith.constant 0.000000e+00 : f32
    %max3A_945 = vector.broadcast %max3A_944 : f32 to vector<154x512xf32>
    %max3A_946 = arith.maximumf %add3A_943, %max3A_945 : vector<154x512xf32>
    %get3A_947 = arith.constant 0 : index
    %get3A_948 = arith.constant 0 : index
    %get3A_949 = arith.constant 0 : index
    %get3A_950 = vector.load %arg11[%get3A_947, %get3A_948, %get3A_949] : memref<4x512x512xf32, #tpu.memory_space<vmem>>, vector<4x512x512xf32>
    %get3A_951 = arith.constant 0 : index
    %get3A_952 = arith.constant 0 : index
    %get3A_953 = vector.load %arg12[%get3A_951, %get3A_952] : memref<1x512xf32, #tpu.memory_space<vmem>>, vector<1x512xf32>
    %slice3A_954 = vector.extract_strided_slice %max3A_910 {offsets = [0, 0], sizes = [153, 512], strides = [1, 1]} : vector<154x512xf32> to vector<153x512xf32>
    %slice3A_955 = vector.extract_strided_slice %get3A_950 {offsets = [0, 0, 0], sizes = [1, 512, 512], strides = [1, 1, 1]} : vector<4x512x512xf32> to vector<1x512x512xf32>
    %squeeze3A_956 = vector.shape_cast %slice3A_955 : vector<1x512x512xf32> to vector<512x512xf32>
    %convert_element_type3A_957 = arith.truncf %slice3A_954 : vector<153x512xf32> to vector<153x512xbf16>
    %convert_element_type3A_958 = arith.truncf %squeeze3A_956 : vector<512x512xf32> to vector<512x512xbf16>
    %dot_general3A_959 = arith.constant dense<0.000000e+00> : vector<153x512xf32>
    %dot_general3A_960 = tpu.matmul %convert_element_type3A_957, %convert_element_type3A_958, %dot_general3A_959 {dimension_numbers = #tpu.dot_dimension_numbers<[1], [0], [0], [1], [0, 0, 1, 1], [], []>, transpose_lhs_hint = false} : vector<153x512xbf16>, vector<512x512xbf16>, vector<153x512xf32> -> vector<153x512xf32>
    %slice3A_961 = vector.extract_strided_slice %max3A_946 {offsets = [0, 0], sizes = [153, 512], strides = [1, 1]} : vector<154x512xf32> to vector<153x512xf32>
    %slice3A_962 = vector.extract_strided_slice %get3A_950 {offsets = [1, 0, 0], sizes = [1, 512, 512], strides = [1, 1, 1]} : vector<4x512x512xf32> to vector<1x512x512xf32>
    %squeeze3A_963 = vector.shape_cast %slice3A_962 : vector<1x512x512xf32> to vector<512x512xf32>
    %convert_element_type3A_964 = arith.truncf %slice3A_961 : vector<153x512xf32> to vector<153x512xbf16>
    %convert_element_type3A_965 = arith.truncf %squeeze3A_963 : vector<512x512xf32> to vector<512x512xbf16>
    %dot_general3A_966 = arith.constant dense<0.000000e+00> : vector<153x512xf32>
    %dot_general3A_967 = tpu.matmul %convert_element_type3A_964, %convert_element_type3A_965, %dot_general3A_966 {dimension_numbers = #tpu.dot_dimension_numbers<[1], [0], [0], [1], [0, 0, 1, 1], [], []>, transpose_lhs_hint = false} : vector<153x512xbf16>, vector<512x512xbf16>, vector<153x512xf32> -> vector<153x512xf32>
    %add3A_968 = arith.addf %dot_general3A_960, %dot_general3A_967 : vector<153x512xf32>
    %slice3A_969 = vector.extract_strided_slice %max3A_910 {offsets = [1, 0], sizes = [153, 512], strides = [1, 1]} : vector<154x512xf32> to vector<153x512xf32>
    %slice3A_970 = vector.extract_strided_slice %get3A_950 {offsets = [2, 0, 0], sizes = [1, 512, 512], strides = [1, 1, 1]} : vector<4x512x512xf32> to vector<1x512x512xf32>
    %squeeze3A_971 = vector.shape_cast %slice3A_970 : vector<1x512x512xf32> to vector<512x512xf32>
    %convert_element_type3A_972 = arith.truncf %slice3A_969 : vector<153x512xf32> to vector<153x512xbf16>
    %convert_element_type3A_973 = arith.truncf %squeeze3A_971 : vector<512x512xf32> to vector<512x512xbf16>
    %dot_general3A_974 = arith.constant dense<0.000000e+00> : vector<153x512xf32>
    %dot_general3A_975 = tpu.matmul %convert_element_type3A_972, %convert_element_type3A_973, %dot_general3A_974 {dimension_numbers = #tpu.dot_dimension_numbers<[1], [0], [0], [1], [0, 0, 1, 1], [], []>, transpose_lhs_hint = false} : vector<153x512xbf16>, vector<512x512xbf16>, vector<153x512xf32> -> vector<153x512xf32>
    %add3A_976 = arith.addf %add3A_968, %dot_general3A_975 : vector<153x512xf32>
    %slice3A_977 = vector.extract_strided_slice %max3A_946 {offsets = [1, 0], sizes = [153, 512], strides = [1, 1]} : vector<154x512xf32> to vector<153x512xf32>
    %slice3A_978 = vector.extract_strided_slice %get3A_950 {offsets = [3, 0, 0], sizes = [1, 512, 512], strides = [1, 1, 1]} : vector<4x512x512xf32> to vector<1x512x512xf32>
    %squeeze3A_979 = vector.shape_cast %slice3A_978 : vector<1x512x512xf32> to vector<512x512xf32>
    %convert_element_type3A_980 = arith.truncf %slice3A_977 : vector<153x512xf32> to vector<153x512xbf16>
    %convert_element_type3A_981 = arith.truncf %squeeze3A_979 : vector<512x512xf32> to vector<512x512xbf16>
    %dot_general3A_982 = arith.constant dense<0.000000e+00> : vector<153x512xf32>
    %dot_general3A_983 = tpu.matmul %convert_element_type3A_980, %convert_element_type3A_981, %dot_general3A_982 {dimension_numbers = #tpu.dot_dimension_numbers<[1], [0], [0], [1], [0, 0, 1, 1], [], []>, transpose_lhs_hint = false} : vector<153x512xbf16>, vector<512x512xbf16>, vector<153x512xf32> -> vector<153x512xf32>
    %add3A_984 = arith.addf %add3A_976, %dot_general3A_983 : vector<153x512xf32>
    %add3A_985 = vector.broadcast %get3A_953 : vector<1x512xf32> to vector<153x512xf32>
    %add3A_986 = arith.addf %add3A_984, %add3A_985 : vector<153x512xf32>
    %max3A_987 = arith.constant 0.000000e+00 : f32
    %max3A_988 = vector.broadcast %max3A_987 : f32 to vector<153x512xf32>
    %max3A_989 = arith.maximumf %add3A_986, %max3A_988 : vector<153x512xf32>
    %slice3A_990 = vector.extract_strided_slice %max3A_989 {offsets = [0, 0], sizes = [152, 512], strides = [1, 1]} : vector<153x512xf32> to vector<152x512xf32>
    %slice3A_991 = vector.extract_strided_slice %slice3A_990 {offsets = [0, 0], sizes = [152, 256], strides = [1, 1]} : vector<152x512xf32> to vector<152x256xf32>
    %get3A_992 = arith.constant 0 : index
    %get3A_993 = arith.constant 0 : index
    %get3A_994 = arith.constant 0 : index
    %get3A_995 = vector.load %arg13[%get3A_992, %get3A_993, %get3A_994] : memref<2x256x320xf32, #tpu.memory_space<vmem>>, vector<1x256x320xf32>
    %get3A_996 = vector.shape_cast %get3A_995 : vector<1x256x320xf32> to vector<256x320xf32>
    %mul3A_997 = arith.mulf %slice3A_991, %slice3A_991 : vector<152x256xf32>
    %reduce_sum3A = arith.constant dense<0.000000e+00> : vector<152xf32>
    %reduce_sum3A_998 = vector.multi_reduction <add>, %mul3A_997, %reduce_sum3A [1] : vector<152x256xf32> to vector<152xf32>
    %broadcast_in_dim3A = vector.shape_cast %reduce_sum3A_998 : vector<152xf32> to vector<152x1xf32>
    %mul3A_999 = arith.mulf %get3A_996, %get3A_996 : vector<256x320xf32>
    %reduce_sum3A_1000 = arith.constant dense<0.000000e+00> : vector<320xf32>
    %reduce_sum3A_1001 = vector.multi_reduction <add>, %mul3A_999, %reduce_sum3A_1000 [0] : vector<256x320xf32> to vector<320xf32>
    %broadcast_in_dim3A_1002 = vector.shape_cast %reduce_sum3A_1001 : vector<320xf32> to vector<1x320xf32>
    %convert_element_type3A_1003 = arith.truncf %slice3A_991 : vector<152x256xf32> to vector<152x256xbf16>
    %convert_element_type3A_1004 = arith.truncf %get3A_996 : vector<256x320xf32> to vector<256x320xbf16>
    %dot_general3A_1005 = arith.constant dense<0.000000e+00> : vector<152x320xf32>
    %dot_general3A_1006 = tpu.matmul %convert_element_type3A_1003, %convert_element_type3A_1004, %dot_general3A_1005 {dimension_numbers = #tpu.dot_dimension_numbers<[1], [0], [0], [1], [0, 0, 1, 1], [], []>, transpose_lhs_hint = false} : vector<152x256xbf16>, vector<256x320xbf16>, vector<152x320xf32> -> vector<152x320xf32>
    %mul3A_1007 = arith.constant 2.000000e+00 : f32
    %mul3A_1008 = vector.broadcast %mul3A_1007 : f32 to vector<152x320xf32>
    %mul3A_1009 = arith.mulf %mul3A_1008, %dot_general3A_1006 : vector<152x320xf32>
    %sub3A = vector.broadcast %broadcast_in_dim3A : vector<152x1xf32> to vector<152x320xf32>
    %sub3A_1010 = arith.subf %sub3A, %mul3A_1009 : vector<152x320xf32>
    %add3A_1011 = vector.broadcast %broadcast_in_dim3A_1002 : vector<1x320xf32> to vector<152x320xf32>
    %add3A_1012 = arith.addf %sub3A_1010, %add3A_1011 : vector<152x320xf32>
    %transpose3A = tpu.transpose %add3A_1012, [1, 0] : vector<152x320xf32> -> vector<320x152xf32>
    %swap3A = arith.constant 0 : index
    %swap3A_1013 = arith.constant 0 : index
    %swap3A_1014 = arith.constant 0 : index
    %swap3A_1015 = vector.load %arg14[%swap3A, %swap3A_1013, %swap3A_1014] : memref<1x320x256xf32, #tpu.memory_space<vmem>>, vector<1x320x152xf32>
    %swap3A_1016 = vector.shape_cast %swap3A_1015 : vector<1x320x152xf32> to vector<320x152xf32>
    %swap3A_1017 = vector.shape_cast %transpose3A : vector<320x152xf32> to vector<1x320x152xf32>
    tpu.vector_store %arg14[%swap3A, %swap3A_1013, %swap3A_1014], %swap3A_1017 {strides = array<i32>} : memref<1x320x256xf32, #tpu.memory_space<vmem>>, vector<1x320x152xf32>,
    %slice3A_1018 = vector.extract_strided_slice %slice3A_990 {offsets = [0, 256], sizes = [152, 256], strides = [1, 1]} : vector<152x512xf32> to vector<152x256xf32>
    %get3A_1019 = arith.constant 1 : index
    %get3A_1020 = arith.constant 0 : index
    %get3A_1021 = arith.constant 0 : index
    %get3A_1022 = vector.load %arg13[%get3A_1019, %get3A_1020, %get3A_1021] : memref<2x256x320xf32, #tpu.memory_space<vmem>>, vector<1x256x320xf32>
    %get3A_1023 = vector.shape_cast %get3A_1022 : vector<1x256x320xf32> to vector<256x320xf32>
    %mul3A_1024 = arith.mulf %slice3A_1018, %slice3A_1018 : vector<152x256xf32>
    %reduce_sum3A_1025 = arith.constant dense<0.000000e+00> : vector<152xf32>
    %reduce_sum3A_1026 = vector.multi_reduction <add>, %mul3A_1024, %reduce_sum3A_1025 [1] : vector<152x256xf32> to vector<152xf32>
    %broadcast_in_dim3A_1027 = vector.shape_cast %reduce_sum3A_1026 : vector<152xf32> to vector<152x1xf32>
    %mul3A_1028 = arith.mulf %get3A_1023, %get3A_1023 : vector<256x320xf32>
    %reduce_sum3A_1029 = arith.constant dense<0.000000e+00> : vector<320xf32>
    %reduce_sum3A_1030 = vector.multi_reduction <add>, %mul3A_1028, %reduce_sum3A_1029 [0] : vector<256x320xf32> to vector<320xf32>
    %broadcast_in_dim3A_1031 = vector.shape_cast %reduce_sum3A_1030 : vector<320xf32> to vector<1x320xf32>
    %convert_element_type3A_1032 = arith.truncf %slice3A_1018 : vector<152x256xf32> to vector<152x256xbf16>
    %convert_element_type3A_1033 = arith.truncf %get3A_1023 : vector<256x320xf32> to vector<256x320xbf16>
    %dot_general3A_1034 = arith.constant dense<0.000000e+00> : vector<152x320xf32>
    %dot_general3A_1035 = tpu.matmul %convert_element_type3A_1032, %convert_element_type3A_1033, %dot_general3A_1034 {dimension_numbers = #tpu.dot_dimension_numbers<[1], [0], [0], [1], [0, 0, 1, 1], [], []>, transpose_lhs_hint = false} : vector<152x256xbf16>, vector<256x320xbf16>, vector<152x320xf32> -> vector<152x320xf32>
    %mul3A_1036 = arith.constant 2.000000e+00 : f32
    %mul3A_1037 = vector.broadcast %mul3A_1036 : f32 to vector<152x320xf32>
    %mul3A_1038 = arith.mulf %mul3A_1037, %dot_general3A_1035 : vector<152x320xf32>
    %sub3A_1039 = vector.broadcast %broadcast_in_dim3A_1027 : vector<152x1xf32> to vector<152x320xf32>
    %sub3A_1040 = arith.subf %sub3A_1039, %mul3A_1038 : vector<152x320xf32>
    %add3A_1041 = vector.broadcast %broadcast_in_dim3A_1031 : vector<1x320xf32> to vector<152x320xf32>
    %add3A_1042 = arith.addf %sub3A_1040, %add3A_1041 : vector<152x320xf32>
    %transpose3A_1043 = tpu.transpose %add3A_1042, [1, 0] : vector<152x320xf32> -> vector<320x152xf32>
    %swap3A_1044 = arith.constant 0 : index
    %swap3A_1045 = arith.constant 0 : index
    %swap3A_1046 = arith.constant 0 : index
    %swap3A_1047 = vector.load %arg15[%swap3A_1044, %swap3A_1045, %swap3A_1046] : memref<1x320x256xf32, #tpu.memory_space<vmem>>, vector<1x320x152xf32>
    %swap3A_1048 = vector.shape_cast %swap3A_1047 : vector<1x320x152xf32> to vector<320x152xf32>
    %swap3A_1049 = vector.shape_cast %transpose3A_1043 : vector<320x152xf32> to vector<1x320x152xf32>
    tpu.vector_store %arg15[%swap3A_1044, %swap3A_1045, %swap3A_1046], %swap3A_1049 {strides = array<i32>} : memref<1x320x256xf32, #tpu.memory_space<vmem>>, vector<1x320x152xf32>,
    return
  }
  func.func @transform_0(%arg0: i32, %arg1: i32) -> (i32, i32, i32) {
    %c0_i32 = arith.constant 0 : i32
    %c0_i32_0 = arith.constant 0 : i32
    %c0_i32_1 = arith.constant 0 : i32
    return %arg0, %c0_i32, %c0_i32_0 : i32, i32, i32
  }
  func.func @transform_1(%arg0: i32, %arg1: i32) -> (i32, i32) {
    %c0_i32 = arith.constant 0 : i32
    %c0_i32_0 = arith.constant 0 : i32
    %c0_i32_1 = arith.constant 0 : i32
    return %c0_i32, %c0_i32_0 : i32, i32
  }
  func.func @transform_2(%arg0: i32, %arg1: i32) -> (i32, i32) {
    %c0_i32 = arith.constant 0 : i32
    %c0_i32_0 = arith.constant 0 : i32
    %c0_i32_1 = arith.constant 0 : i32
    return %c0_i32, %c0_i32_0 : i32, i32
  }
  func.func @transform_3(%arg0: i32, %arg1: i32) -> (i32, i32, i32) {
    %c0_i32 = arith.constant 0 : i32
    %c0_i32_0 = arith.constant 0 : i32
    %c0_i32_1 = arith.constant 0 : i32
    %c0_i32_2 = arith.constant 0 : i32
    return %c0_i32, %c0_i32_0, %c0_i32_1 : i32, i32, i32
  }
  func.func @transform_4(%arg0: i32, %arg1: i32) -> (i32, i32) {
    %c0_i32 = arith.constant 0 : i32
    %c0_i32_0 = arith.constant 0 : i32
    %c0_i32_1 = arith.constant 0 : i32
    return %c0_i32, %c0_i32_0 : i32, i32
  }
  func.func @transform_5(%arg0: i32, %arg1: i32) -> (i32, i32, i32) {
    %c0_i32 = arith.constant 0 : i32
    %c0_i32_0 = arith.constant 0 : i32
    %c0_i32_1 = arith.constant 0 : i32
    %c0_i32_2 = arith.constant 0 : i32
    return %c0_i32, %c0_i32_0, %c0_i32_1 : i32, i32, i32
  }
  func.func @transform_6(%arg0: i32, %arg1: i32) -> (i32, i32) {
    %c0_i32 = arith.constant 0 : i32
    %c0_i32_0 = arith.constant 0 : i32
    %c0_i32_1 = arith.constant 0 : i32
    return %c0_i32, %c0_i32_0 : i32, i32
  }
  func.func @transform_7(%arg0: i32, %arg1: i32) -> (i32, i32, i32) {
    %c0_i32 = arith.constant 0 : i32
    %c0_i32_0 = arith.constant 0 : i32
    %c0_i32_1 = arith.constant 0 : i32
    %c0_i32_2 = arith.constant 0 : i32
    return %c0_i32, %c0_i32_0, %c0_i32_1 : i32, i32, i32
  }
  func.func @transform_8(%arg0: i32, %arg1: i32) -> (i32, i32) {
    %c0_i32 = arith.constant 0 : i32
    %c0_i32_0 = arith.constant 0 : i32
    %c0_i32_1 = arith.constant 0 : i32
    return %c0_i32, %c0_i32_0 : i32, i32
  }
  func.func @transform_9(%arg0: i32, %arg1: i32) -> (i32, i32, i32) {
    %c0_i32 = arith.constant 0 : i32
    %c0_i32_0 = arith.constant 0 : i32
    %c0_i32_1 = arith.constant 0 : i32
    %c0_i32_2 = arith.constant 0 : i32
    return %c0_i32, %c0_i32_0, %c0_i32_1 : i32, i32, i32
  }
  func.func @transform_10(%arg0: i32, %arg1: i32) -> (i32, i32) {
    %c0_i32 = arith.constant 0 : i32
    %c0_i32_0 = arith.constant 0 : i32
    %c0_i32_1 = arith.constant 0 : i32
    return %c0_i32, %c0_i32_0 : i32, i32
  }
  func.func @transform_11(%arg0: i32, %arg1: i32) -> (i32, i32, i32) {
    %c0_i32 = arith.constant 0 : i32
    %c0_i32_0 = arith.constant 0 : i32
    %c0_i32_1 = arith.constant 0 : i32
    %c0_i32_2 = arith.constant 0 : i32
    return %c0_i32, %c0_i32_0, %c0_i32_1 : i32, i32, i32
  }
  func.func @transform_12(%arg0: i32, %arg1: i32) -> (i32, i32, i32) {
    %c0_i32 = arith.constant 0 : i32
    %c0_i32_0 = arith.constant 0 : i32
    return %arg0, %c0_i32, %arg1 : i32, i32, i32
  }
  func.func @transform_13(%arg0: i32, %arg1: i32) -> (i32, i32, i32) {
    %c0_i32 = arith.constant 0 : i32
    %c0_i32_0 = arith.constant 0 : i32
    return %arg0, %c0_i32, %arg1 : i32, i32, i32
  }
}

</mosaic_0001>

<sc_bundles>
// kernel: kernel.4.cloned.1.call-start
scs
__scs_entry_jumppad:
0x0: {  	(pc) =	sbr.rel $0x88, $3  }
0x1: {  	(tag) =	ssettag $0x0;
	lr =	simm.s32 $0x1  }
0x2: {  	[smem:$0x3F95] =	sst lr;
	_ =	strace $0xD0000000  }
0x3: {  	_ = 	snop  }
0x4: {  	_ = 	snop  }
0x5: {  	_ = 	snop  }
0x6: {  	_ = 	snop  }
0x7: {  	_ = 	snop  }
__scs_overlays_trampoline_lowered:
0x8: {  	[smem:$0x3FA4] =	sst s0  }
0x9: {  	[smem:$0x3FA5] =	sst s1  }
0xa: {  	[smem:$0x3FA6] =	sst s2  }
0xb: {  	[smem:$0x3FA7] =	sst s3  }
0xc: {  	[smem:$0x3FA8] =	sst s4  }
0xd: {  	[smem:$0x3FA9] =	sst s5  }
0xe: {  	[smem:$0x3FAA] =	sst s6  }
0xf: {  	[smem:$0x3FAB] =	sst s7  }
0x10: {  	[smem:$0x3FAC] =	sst s8  }
0x11: {  	[smem:$0x3FAD] =	sst s9;
	s0 =	simm.s32 @!p0 $0x0  }
0x12: {  	s1 =	sld [smem:$0x3F93];
	s0 =	simm.s32 @p0 $0x1  }
0x13: {  	[smem:$0x3FAE] =	sst s0;
	s0 =	simm.s32 @!p1 $0x0  }
0x14: {  	s2 =	sld [smem:$0x3F92];
	s0 =	simm.s32 @p1 $0x1  }
0x15: {  	[smem:$0x3FAF] =	sst s0;
	s0 =	simm.s32 @!p2 $0x0  }
0x16: {  	s3 =	sld [smem:$0x3FDB];
	s0 =	simm.s32 @p2 $0x1  }
0x17: {  	s4 =	simm.s32 $0x1BF5;
	[smem:$0x3FB1] =	sst s0  }
0x18: {  	s0 =	sld [smem:$0x3F94];
	_ =	swait.ge [sflag:s4], $0x0  }
0x19: {  	s7 =	sld [smem:$0x3F95]  }
0x1a: {  	s8 =	sadd.s32 $0xFFFFE003, lr  }
0x1b: {  	s9 =	sadd.s32 $0xFFFFFEF7, lr;
	s5 =	simm.s32 $0xFFFFFFFF;
	p2 =	slt.u32 s8, $0xFFFFF086  }
0x1c: {  	p1 =	slt.u32 s9, $0xF7A;
	s5 =	simm.s32 @!p2 $0x0  }
0x1d: {  	s5 =	simm.s32 @p1 $0x1;
	p0 =	seq.s32 s7, s2  }
0x1e: {  	s7 =	smul.u32 @!p0 $0xF7A, s2;
	p2 =	seq.s32 @!p0 s5, $0x0  }
0x1f: {  	s9 =	smul.u32 $0xF7A, s1;
	s8 =	simm.s32 @!p0 $0x1BF5;
	p2 =	por !p2, p0  }
0x20: {  	[sflag:s8] =	ssyncset.s32 @!p0 $0xFFFFF086;
	s6 =	sadd.s32 @!p0 s3, s7;
	s7 =	simm.s32 @!p0 $0x108  }
0x21: {  	s3 =	sadd.s32 s3, s9;
	s6 =	sadd.s32 @!p0 $0x88, s6;
	s7 =	simm.s32 @p2 $0x1082  }
0x22: {  	[simem:s7], [sflag:s8] =	dma.local @!p0 [hbm:s6], $0xF7A  }
0x23: {  	s9 =	sor.u32 $0xD0000000, s2;
	s6 =	simm.s32 $0x108;
	_ =	swait.ge @!p0 [sflag:s8], $0x0  }
0x24: {  	s3 =	sadd.s32 $0x88, s3;
	s6 =	simm.s32 @!p1 $0x1082;
	[sflag:s4] =	ssyncset.s32 $0xFFFFF086  }
0x25: {  	[simem:s6], [sflag:s4] =	dma.local [hbm:s3], $0xF7A  }
0x26: {  	[smem:$0x3F95] =	sst s1;
	(tag) =	ssettag s2;
	_ =	strace s9  }
0x27: {  	s1 =	sld [smem:$0x3FA5]  }
0x28: {  	s2 =	sld [smem:$0x3FA6]  }
0x29: {  	s4 =	sld [smem:$0x3FA8]  }
0x2a: {  	p0 =	seq.s32 s5, $0x0;
	s5 =	sld [smem:$0x3FA9]  }
0x2b: {  	s6 =	sld [smem:$0x3FAA]  }
0x2c: {  	s7 =	sld [smem:$0x3FAB]  }
0x2d: {  	s3 =	simm.s32 $0x108;
	s8 =	sld [smem:$0x3FAC]  }
0x2e: {  	s3 =	simm.s32 @!p0 $0x1082;
	s9 =	sld [smem:$0x3FAD]  }
0x2f: {  	lr =	sadd.s32 s0, s3;
	s0 =	sld [smem:$0x3FA4]  }
0x30: {  	s3 =	sld [smem:$0x3FA7]  }
0x31: {  	[smem:$0x3FB0] =	sst s10  }
0x32: {  	s10 =	sld [smem:$0x3FAE];
	_ =	sdelay $0x3  }
0x33: {  	p0 =	seq.s32 s10, $0x1;
	s10 =	sld [smem:$0x3FB0];
	_ =	sdelay $0x3  }
0x34: {  	[smem:$0x3FB0] =	sst s10  }
0x35: {  	s10 =	sld [smem:$0x3FAF];
	_ =	sdelay $0x3  }
0x36: {  	p1 =	seq.s32 s10, $0x1;
	s10 =	sld [smem:$0x3FB0];
	_ =	sdelay $0x3  }
0x37: {  	[smem:$0x3FB0] =	sst s10  }
0x38: {  	s10 =	sld [smem:$0x3FB1]  }
0x39: {  	_ = 	snop;
	(pc) =	sbr.ind lr, $3  }
0x3a: {  	_ = 	snop  }
0x3b: {  	_ = 	snop  }
0x3c: {  	p2 =	seq.s32 s10, $0x1;
	s10 =	sld [smem:$0x3FB0]  }
0x3d: {  	_ =	shalt  }
0x3e: {  	_ =	shalt  }
0x3f: {  	_ =	shalt  }
0x40: {  	_ =	shalt  }
0x41: {  	_ =	shalt  }
0x42: {  	_ =	shalt  }
0x43: {  	_ =	shalt  }
0x44: {  	_ =	shalt  }
0x45: {  	_ =	shalt  }
0x46: {  	_ =	shalt  }
0x47: {  	_ =	shalt  }
0x48: {  	_ =	shalt  }
0x49: {  	_ =	shalt  }
0x4a: {  	_ =	shalt  }
0x4b: {  	_ =	shalt  }
0x4c: {  	_ =	shalt  }
0x4d: {  	_ =	shalt  }
0x4e: {  	_ =	shalt  }
0x4f: {  	_ =	shalt  }
0x50: {  	_ =	shalt  }
0x51: {  	_ =	shalt  }
0x52: {  	_ =	shalt  }
0x53: {  	_ =	shalt  }
0x54: {  	_ =	shalt  }
0x55: {  	_ =	shalt  }
0x56: {  	_ =	shalt  }
0x57: {  	_ =	shalt  }
0x58: {  	_ =	shalt  }
0x59: {  	_ =	shalt  }
0x5a: {  	_ =	shalt  }
0x5b: {  	_ =	shalt  }
0x5c: {  	_ =	shalt  }
0x5d: {  	_ =	shalt  }
0x5e: {  	_ =	shalt  }
0x5f: {  	_ =	shalt  }
0x60: {  	_ =	shalt  }
0x61: {  	_ =	shalt  }
0x62: {  	_ =	shalt  }
0x63: {  	_ =	shalt  }
0x64: {  	_ =	shalt  }
0x65: {  	_ =	shalt  }
0x66: {  	_ =	shalt  }
0x67: {  	_ =	shalt  }
0x68: {  	_ =	shalt  }
0x69: {  	_ =	shalt  }
0x6a: {  	_ =	shalt  }
0x6b: {  	_ =	shalt  }
0x6c: {  	_ =	shalt  }
0x6d: {  	_ =	shalt  }
0x6e: {  	_ =	shalt  }
0x6f: {  	_ =	shalt  }
0x70: {  	_ =	shalt  }
0x71: {  	_ =	shalt  }
0x72: {  	_ =	shalt  }
0x73: {  	_ =	shalt  }
0x74: {  	_ =	shalt  }
0x75: {  	_ =	shalt  }
0x76: {  	_ =	shalt  }
0x77: {  	_ =	shalt  }
0x78: {  	_ =	shalt  }
0x79: {  	_ =	shalt  }
0x7a: {  	_ =	shalt  }
0x7b: {  	_ =	shalt  }
0x7c: {  	_ =	shalt  }
0x7d: {  	_ =	shalt  }
0x7e: {  	_ =	shalt  }
0x7f: {  	_ =	shalt  }
0x80: {  	_ =	shalt  }
0x81: {  	_ =	shalt  }
0x82: {  	_ =	shalt  }
0x83: {  	_ =	shalt  }
0x84: {  	_ =	shalt  }
0x85: {  	_ =	shalt  }
0x86: {  	_ =	shalt  }
0x87: {  	_ =	shalt  }
.Lfunc_end0:
.L_simem_size_0:
called_computation_lowered:
.L_overlay_start_0:
0x88: {  	s2 =	sld [smem:$0x3FD9]  }
0x89: {  	s3 =	sld [smem:$0x3FFE];
	_ =	sdelay $0x1  }
0x8a: {  	s1 =	srdreg.scid  }
0x8b: {  	s0 =	sand.u32 $0x1, s1  }
0x8c: {  	s16 =	sshll.u32 s0, $0xA;
	s2 =	sadd.s32 s3, s2  }
0x8d: {  	s2 =	sadd.s32 s2, s16  }
0x8e: {  	[smem:$0x3FBC] =	sst s2  }
0x8f: {  	_ = 	snop  }
0x90: {  	(tm) =	ssettm $0x1  }
0x91: {  	s17 =	sld [smem:$0x3FFB];
	_ =	sdelay $0x3  }
0x92: {  	_ =	strace s17  }
0x93: {  	s2 =	sld [smem:$0x3FFC];
	_ =	sdelay $0x3  }
0x94: {  	_ =	strace s2  }
0x95: {  	s2 =	sld [smem:$0x3FFD];
	_ =	sdelay $0x3  }
0x96: {  	_ =	strace s2  }
0x97: {  	_ =	strace $0x8FFFFFFF  }
0x98: {  	s18 =	sld [smem:$0x3FDB];
	_ =	sdelay $0x1  }
0x99: {  	s19 =	simm.s32 $_scs_section_size  }
0x9a: {  	s4 =	simm.s32 $_size__tile_overlayer_lowered;
	s5 =	simm.s32 $_tile_overlayer_lowered  }
0x9b: {  	s22 =	simm.s32 $0x1BFF;
	s21 =	sshll.u32 s5, $0x1;
	s2 =	sadd.s32 s19, s18  }
0x9c: {  	s6 =	simm.s32 $0x0;
	s20 =	sshll.u32 s4, $0x1;
	s4 =	sadd.s32 s21, s2  }
0x9d: {  	[timem:s6], [sflag:s22] =	dma.local [hbm:s4], s20  }
0x9e: {  	_ =	swait.ge [sflag:s22], s20  }
0x9f: {  	s3 =	ssub.s32 $0x0, s20;
	[sflag:s22] =	ssyncset.done $0x0  }
0xa0: {  	[sflag:s22] =	ssyncadd.s32 s3;
	_ =	sdelay $0x1  }
0xa1: {  	s23 =	simm.s32 $0x1B8B  }
0xa2: {  	_ =	swait.ge [sflag:s23], $0x1  }
0xa3: {  	[sflag:s23] =	ssyncset.done $0x0  }
0xa4: {  	s25 =	simm.s32 $0x1B8E;
	s24 =	sld [smem:$0x3FFE];
	[sflag:s23] =	ssyncadd.s32 $0xFFFFFFFF  }
0xa5: {  	s26 =	simm.s32 $execute0_lowered;
	[smem:$0x3FD2] =	sst s25  }
0xa6: {  	s4 =	sshll.u32 s26, $0x1;
	_ =	strace $0x80000046;
	[dreg:$0x1] =	wrdreg $0xFFFFFFFF  }
0xa7: {  	s28 =	simm.s32 $_size_execute0_lowered;
	s2 =	sadd.s32 s2, s4;
	[dreg:$0x0] =	wrdreg $0x0  }
0xa8: {  	s4 =	sshll.u32 s28, $0x1;
	[dreg:$0x2] =	wrdreg s2  }
0xa9: {  	[dreg:$0x3] =	wrdreg s4  }
0xaa: {  	[dreg:$0x4] =	wrdreg $0xC0  }
0xab: {  	_ =	task [dreg:s6], $0x5FFFF  }
0xac: {  	[dreg:$0x1] =	wrdreg $0xFFFFFFFF  }
0xad: {  	[dreg:$0x0] =	wrdreg $0x60  }
0xae: {  	[dreg:$0x2] =	wrdreg s24  }
0xaf: {  	[dreg:$0x3] =	wrdreg $0x9  }
0xb0: {  	_ =	task.clear_ibuf [dreg:s6], $0x4FFFF;
	_ =	strace $0x90000046  }
0xb1: {  	s29 =	simm.s32 $0x9;
	_ =	strace $0x80000048  }
0xb2: {  	_ =	swait.ge [sflag:s29], $0x1  }
0xb3: {  	[sflag:s29] =	ssyncadd.s32 $0xFFFFFFFF  }
0xb4: {  	_ =	strace $0x90000048  }
0xb5: {  	_ =	sfence  }
0xb6: {  	s30 =	sld [smem:$0x0];
	_ =	sdelay $0x2  }
0xb7: {  	s31 =	sshll.u32 s1, $0xD;
	s1 =	sshrl.u32 s1, $0x2  }
0xb8: {  	s3 =	sand.u32 $0x4000, s31;
	s1 =	sadd.s32 s1, s30  }
0xb9: {  	s0 =	sor.u32 s3, s0;
	s1 =	sshll.u32 s1, $0x11  }
0xba: {  	s0 =	sor.u32 s1, s0  }
0xbb: {  	s0 =	sadd.s32 $0x8F2B, s0  }
0xbc: {  	[sflag:s0] =	ssyncadd.remote.s32 $0x1  }
0xbd: {  	_ =	sfence.sel $0xFFFF  }
0xbe: {  	[dreg:$0x0] =	wrdreg $0xFFFFFFFF;
	(pc) =	sbr.abs _section_cstart, $3  }
0xbf: {  	[dreg:$0x1] =	wrdreg $0xFFFFFFFF  }
0xc0: {  	_ =	task.clear_ibuf [dreg:s6], $0x2FFFF;
	_ =	strace $0x9FFFFFFF  }
0xc1: {  	(tm) =	ssettm $0x7FFFFFFF  }
tec
execute0_lowered:
.L_overlay_start_1:
0x0: {  	(tag) =	ssettag $0x1  }
0x1: {  	s0 =	stileid.u32  }
0x2: {  	s1 =	srdreg.scid;
	s5 =	rddreg [dreg:$0x0]  }
0x3: {  	s9 =	simm.s32 $0xA000;
	s10 =	simm.s32 $0x0;
	s2 =	sshll.u32 s0, $0x1  }
0x4: {  	s3 =	sshrl.u32 s0, $0x1;
	s4 =	sand.u32 $0x1, s1;
	s1 =	rddreg [dreg:$0x1]  }
0x5: {  	s3 =	sand.u32 $0x3, s3;
	s30 =	sand.u32 $0x2, s2;
	s2 =	simm.s32 $0x0  }
0x6: {  	s6 =	sor.u32 s4, s30;
	s7 =	smul.u32 $0x28000, s3;
	[smem:$0x7FF] =	sst s2  }
0x7: {  	s3 =	sshll.u32 s3, $0x4;
	s4 =	ssub.s32 $0x2, s4;
	s8 =	sshll.u32 s6, $0xA  }
0x8: {  	_ =	strace $0x80000047;
	s3 =	sadd.s32 s3, s5;
	s7 =	sor.u32 s7, s8  }
0x9: {  	s6 =	sshll.u32 s6, $0x6;
	s31 =	sshrl.u32 s4, $0x1;
	s7 =	sshrl.u32 s7, $0x3  }
0xa: {  	s6 =	sadd.s32 s6, s3;
	s8 =	simm.s32 $0x1;
	s5 =	sadd.s32 s7, s5  }
0xb: {  	s7 =	ssub.s32 s4, s31;
	s4 =	sadd.s32 $0x15E00, s6;
	s6 =	simm.s32 $0x400  }
0xc: {  	s3 =	sadd.s32 $0x1E00, s5;
	s5 =	smax.u32 s7, $0x1;
	s7 =	simm.s32 $0x1000  }
.LBB2_1:
0xd: {  	[tilespmem:s2], [sflag:$0x1] =	stream.strided.gather [hbm4b:s3+s6], $0xA000, s7, s6, $0x38;
	[tilespmem:$0xA080] =	vst v63  }
0xe: {  	_ =	swait.ge [sflag:s8], $0xA000  }
0xf: {  	[sflag:s8] =	ssyncset.done $0x0  }
0x10: {  	[sflag:s8] =	ssyncadd.s32 $0xFFFF6000  }
0x11: {  	v1 =	vld [tilespmem:s2+$0x0];
	_ =	sdelay $0x3  }
0x12: {  	v2 =	vimm.f32 $+Inf  }
0x13: {  	v0 =	vimm.s32 $0x0;
	s11 =	simm.s32 $0x1;
	s12 =	simm.s32 $0x80;
	s13 =	simm.s32 $0x0;
	vm0 =	vlt.f32 v1, v2  }
.LBB2_2:
0x14: {  	p0 =	sne.s32 s11, $0x13F;
	v2 =	vsel vm0, v1, v2;
	v1 =	vld [tilespmem:s12+$0x0];
	v0 =	vsel vm0, s13, v0;
	s13 =	smov.u32 s11;
	s11 =	sadd.s32 $0x1, s11  }
.Ltmp0:
0x15: {  	(pc) =	sbr.rel @p0 .LBB2_2-.Ltmp0, $2  }
0x16: {  	_ =	sdelay $0x2  }
0x17: {  	s12 =	sadd.s32 $0x80, s12;
	vm0 =	vlt.f32 v1, v2  }
0x18: {  	v0 =	vsel vm0, s13, v0  }
0x19: {  	s11 =	simm.s32 $0x10;
	[tilespmem:$0xA000] =	vst v0  }
0x1a: {  	v0 =	vld [tilespmem:s11+$0x0];
	_ =	sdelay $0x3  }
0x1b: {  	v1 =	vimm.f32 $+Inf  }
0x1c: {  	v2 =	vimm.s32 $0x0;
	s12 =	simm.s32 $0x1;
	s13 =	simm.s32 $0x90;
	s11 =	simm.s32 $0x0;
	vm0 =	vlt.f32 v0, v1  }
.LBB2_4:
0x1d: {  	p0 =	sne.s32 s12, $0x13F;
	v1 =	vsel vm0, v0, v1;
	v0 =	vld [tilespmem:s13+$0x0];
	v2 =	vsel vm0, s11, v2;
	s11 =	smov.u32 s12;
	s12 =	sadd.s32 $0x1, s12  }
.Ltmp1:
0x1e: {  	(pc) =	sbr.rel @p0 .LBB2_4-.Ltmp1, $2  }
0x1f: {  	_ =	sdelay $0x2  }
0x20: {  	s13 =	sadd.s32 $0x80, s13;
	vm0 =	vlt.f32 v0, v1  }
0x21: {  	v0 =	vsel vm0, s11, v2  }
0x22: {  	s31 =	simm.s32 $0x20;
	[tilespmem:$0xA010] =	vst v0  }
0x23: {  	v0 =	vld [tilespmem:s31+$0x0];
	_ =	sdelay $0x3  }
0x24: {  	v1 =	vimm.f32 $+Inf  }
0x25: {  	s11 =	simm.s32 $0x0;
	v2 =	vimm.s32 $0x0;
	s12 =	simm.s32 $0x1;
	s13 =	simm.s32 $0xA0;
	vm0 =	vlt.f32 v0, v1  }
.LBB2_6:
0x26: {  	p0 =	sne.s32 s12, $0x13F;
	v1 =	vsel vm0, v0, v1;
	v0 =	vld [tilespmem:s13+$0x0];
	v2 =	vsel vm0, s11, v2;
	s11 =	smov.u32 s12;
	s12 =	sadd.s32 $0x1, s12  }
.Ltmp2:
0x27: {  	(pc) =	sbr.rel @p0 .LBB2_6-.Ltmp2, $2  }
0x28: {  	_ =	sdelay $0x2  }
0x29: {  	s13 =	sadd.s32 $0x80, s13;
	vm0 =	vlt.f32 v0, v1  }
0x2a: {  	v0 =	vsel vm0, s11, v2  }
0x2b: {  	s31 =	simm.s32 $0x30;
	[tilespmem:$0xA020] =	vst v0  }
0x2c: {  	v0 =	vld [tilespmem:s31+$0x0];
	_ =	sdelay $0x3  }
0x2d: {  	v1 =	vimm.f32 $+Inf  }
0x2e: {  	s11 =	simm.s32 $0x0;
	v2 =	vimm.s32 $0x0;
	s12 =	simm.s32 $0x1;
	s13 =	simm.s32 $0xB0;
	vm0 =	vlt.f32 v0, v1  }
.LBB2_8:
0x2f: {  	p0 =	sne.s32 s12, $0x13F;
	v1 =	vsel vm0, v0, v1;
	v0 =	vld [tilespmem:s13+$0x0];
	v2 =	vsel vm0, s11, v2;
	s11 =	smov.u32 s12;
	s12 =	sadd.s32 $0x1, s12  }
.Ltmp3:
0x30: {  	(pc) =	sbr.rel @p0 .LBB2_8-.Ltmp3, $2  }
0x31: {  	_ =	sdelay $0x2  }
0x32: {  	s13 =	sadd.s32 $0x80, s13;
	vm0 =	vlt.f32 v0, v1  }
0x33: {  	v0 =	vsel vm0, s11, v2  }
0x34: {  	s31 =	simm.s32 $0x40;
	[tilespmem:$0xA030] =	vst v0  }
0x35: {  	v0 =	vld [tilespmem:s31+$0x0];
	_ =	sdelay $0x3  }
0x36: {  	v1 =	vimm.f32 $+Inf  }
0x37: {  	s11 =	simm.s32 $0x0;
	v2 =	vimm.s32 $0x0;
	s12 =	simm.s32 $0x1;
	s13 =	simm.s32 $0xC0;
	vm0 =	vlt.f32 v0, v1  }
.LBB2_10:
0x38: {  	p0 =	sne.s32 s12, $0x13F;
	v1 =	vsel vm0, v0, v1;
	v0 =	vld [tilespmem:s13+$0x0];
	v2 =	vsel vm0, s11, v2;
	s11 =	smov.u32 s12;
	s12 =	sadd.s32 $0x1, s12  }
.Ltmp4:
0x39: {  	(pc) =	sbr.rel @p0 .LBB2_10-.Ltmp4, $2  }
0x3a: {  	_ =	sdelay $0x2  }
0x3b: {  	s13 =	sadd.s32 $0x80, s13;
	vm0 =	vlt.f32 v0, v1  }
0x3c: {  	v0 =	vsel vm0, s11, v2  }
0x3d: {  	s31 =	simm.s32 $0x50;
	[tilespmem:$0xA040] =	vst v0  }
0x3e: {  	v0 =	vld [tilespmem:s31+$0x0];
	_ =	sdelay $0x3  }
0x3f: {  	v1 =	vimm.f32 $+Inf  }
0x40: {  	s11 =	simm.s32 $0x0;
	v2 =	vimm.s32 $0x0;
	s12 =	simm.s32 $0x1;
	s13 =	simm.s32 $0xD0;
	vm0 =	vlt.f32 v0, v1  }
.LBB2_12:
0x41: {  	p0 =	sne.s32 s12, $0x13F;
	v1 =	vsel vm0, v0, v1;
	v0 =	vld [tilespmem:s13+$0x0];
	v2 =	vsel vm0, s11, v2;
	s11 =	smov.u32 s12;
	s12 =	sadd.s32 $0x1, s12  }
.Ltmp5:
0x42: {  	(pc) =	sbr.rel @p0 .LBB2_12-.Ltmp5, $2  }
0x43: {  	_ =	sdelay $0x2  }
0x44: {  	s13 =	sadd.s32 $0x80, s13;
	vm0 =	vlt.f32 v0, v1  }
0x45: {  	v0 =	vsel vm0, s11, v2  }
0x46: {  	s31 =	simm.s32 $0x60;
	[tilespmem:$0xA050] =	vst v0  }
0x47: {  	v0 =	vld [tilespmem:s31+$0x0];
	_ =	sdelay $0x3  }
0x48: {  	v1 =	vimm.f32 $+Inf  }
0x49: {  	s11 =	simm.s32 $0x0;
	v2 =	vimm.s32 $0x0;
	s12 =	simm.s32 $0x1;
	s13 =	simm.s32 $0xE0;
	vm0 =	vlt.f32 v0, v1  }
.LBB2_14:
0x4a: {  	p0 =	sne.s32 s12, $0x13F;
	v1 =	vsel vm0, v0, v1;
	v0 =	vld [tilespmem:s13+$0x0];
	v2 =	vsel vm0, s11, v2;
	s11 =	smov.u32 s12;
	s12 =	sadd.s32 $0x1, s12  }
.Ltmp6:
0x4b: {  	(pc) =	sbr.rel @p0 .LBB2_14-.Ltmp6, $2  }
0x4c: {  	_ =	sdelay $0x2  }
0x4d: {  	s13 =	sadd.s32 $0x80, s13;
	vm0 =	vlt.f32 v0, v1  }
0x4e: {  	v0 =	vsel vm0, s11, v2  }
0x4f: {  	s31 =	simm.s32 $0x70;
	[tilespmem:$0xA060] =	vst v0  }
0x50: {  	v0 =	vld [tilespmem:s31+$0x0];
	_ =	sdelay $0x3  }
0x51: {  	v1 =	vimm.f32 $+Inf  }
0x52: {  	s11 =	simm.s32 $0x0;
	v2 =	vimm.s32 $0x0;
	s12 =	simm.s32 $0x1;
	s13 =	simm.s32 $0xF0;
	vm0 =	vlt.f32 v0, v1  }
.LBB2_16:
0x53: {  	p0 =	sne.s32 s12, $0x13F;
	v1 =	vsel vm0, v0, v1;
	v0 =	vld [tilespmem:s13+$0x0];
	v2 =	vsel vm0, s11, v2;
	s11 =	smov.u32 s12;
	s12 =	sadd.s32 $0x1, s12  }
.Ltmp7:
0x54: {  	(pc) =	sbr.rel @p0 .LBB2_16-.Ltmp7, $2  }
0x55: {  	_ =	sdelay $0x2  }
0x56: {  	s13 =	sadd.s32 $0x80, s13;
	vm0 =	vlt.f32 v0, v1  }
0x57: {  	s10 =	sadd.s32 $0x1, s10  }
0x58: {  	v0 =	vsel vm0, s11, v2;
	p0 =	sne.s32 s10, s5  }
.Ltmp8:
0x59: {  	[tilespmem:$0xA070] =	vst v0;
	(pc) =	sbr.rel @p0 .LBB2_1-.Ltmp8, $4  }
0x5a: {  	[hbm4b:s4+s2] =	stream.linear.scatter [tilespmem:s9], [sflag:$0x1], $0x80, $0x38;
	[tilespmem:$0xA080] =	vst v63  }
0x5b: {  	_ =	swait.ge [sflag:s8], $0x80  }
0x5c: {  	[sflag:s8] =	ssyncset.done $0x0  }
0x5d: {  	[sflag:s8] =	ssyncadd.s32 $0xFFFFFF80  }
0x5e: {  	_ =	sfence.sel $0x180000  }
0x5f: {  	[bflag:$0x0] =	sbarrier.arrive $0xFFFF  }
0x60: {  	p0 =	sne.s32 s0, $0x0;
	_ =	strace $0x90000047  }
0x61: {  	s0 =	sadd.s32 @!p0 $0x100000, s1;
	[bflag:$0x2] =	sbarrier.arrive $0xFFFF  }
0x62: {  	[sflag:s0] =	ssyncadd.tile.s32 @!p0 $0x1;
	_ =	shalt  }
.Lfunc_end2:
_tile_overlayer_lowered:
.L_overlay_start_2:
0x63: {  	(tag) =	ssettag $0x2  }
0x64: {  	s0 =	rddreg [dreg:$0x0];
	s2 =	stileid.u32  }
0x65: {  	s1 =	rddreg [dreg:$0x1];
	p0 =	sne.s32 s2, $0x0  }
0x66: {  	s3 =	rddreg [dreg:$0x2];
	[bflag:$0x3] =	sbarrier.arrive $0xFFFF;
	s2 =	simm.s32 @!p0 $0x1C01  }
0x67: {  	[timem:s3], [sflag:s2] =	dma.local @!p0 [hbm:s0], s1  }
0x68: {  	s0 =	simm.s32 @!p0 $0x1  }
0x69: {  	_ =	swait.ge @!p0 [sflag:s0], s1  }
0x6a: {  	s1 =	ssub.s32 @!p0 $0x0, s1;
	[sflag:s0] =	ssyncset.done @!p0 $0x0  }
0x6b: {  	[sflag:s0] =	ssyncadd.s32 @!p0 s1  }
0x6c: {  	[bflag:$0x3] =	sbarrier.arrive $0xFFFF  }
0x6d: {  	_ =	shalt  }

</sc_bundles>
